<compile_context>
chip_gen: v7x
topology: tpu7x:2x2x1
jax: 0.10.2.dev20260603
libtpu: 0.0.44.dev20260713+nightly
codegen_flags: <defaults>
</compile_context>

<pallas_src>
import functools

import jax
import jax.numpy as jnp
from jax import lax
from jax.experimental import pallas as pl
from jax.experimental.pallas import tpu as pltpu
from jax.experimental.pallas import tpu_sc as plsc

N = 1000000
IN_CH = 10
HALF = 32
NSEG = 30000
EPS = 1e-3

BR_STATS = 20000
BR_MAIN = 10000

NW = 32
SEG_PER_W = 960
NSEG_PAD = SEG_PER_W * NW
RS_DMA = 976
RS_LEN = (NW - 1) * SEG_PER_W + RS_DMA
CH = 512
SEGB = 64

RPW = 31232
GCH = 976
TAIL = N - RPW * NW


def _stats_body(x_ref, s_ref, g_ref):
    step = pl.program_id(0)
    blk = x_ref[...]

    @pl.when(step == 0)
    def _():
        s_ref[...] = jnp.zeros_like(s_ref)
        g_ref[...] = jnp.zeros_like(g_ref)

    s_ref[...] += jnp.sum(blk, axis=0, keepdims=True)
    g_ref[...] += lax.dot_general(blk, blk, (((0,), (0,)), ((), ())),
                                  preferred_element_type=jnp.float32)


def _main_body(x_ref, w_ref, b_ref, o_ref):
    o_ref[...] = jnp.maximum(
        lax.dot_general(x_ref[...], w_ref[...], (((1,), (1,)), ((), ())),
                        preferred_element_type=jnp.float32) + b_ref[...],
        0.0)


def _bn_folded_weights(inputs, W, gamma, beta):
    s, g = pl.pallas_call(
        _stats_body,
        grid=(N // BR_STATS,),
        in_specs=[pl.BlockSpec((BR_STATS, IN_CH), lambda i: (i, 0))],
        out_specs=[pl.BlockSpec((1, IN_CH), lambda i: (0, 0)),
                   pl.BlockSpec((IN_CH, IN_CH), lambda i: (0, 0))],
        out_shape=[jax.ShapeDtypeStruct((1, IN_CH), jnp.float32),
                   jax.ShapeDtypeStruct((IN_CH, IN_CH), jnp.float32)],
    )(inputs)
    mu = s[0] / N
    second = g / N
    mean_x = W @ mu
    e2 = jnp.sum((W @ second) * W, axis=1)
    var_x = e2 - mean_x * mean_x
    scale = gamma / jnp.sqrt(var_x + EPS)
    Wp = W * scale[:, None]
    bp = beta - mean_x * scale
    return Wp, bp


def _linear_relu(inputs, Wp, bp):
    return pl.pallas_call(
        _main_body,
        grid=(N // BR_MAIN,),
        in_specs=[pl.BlockSpec((BR_MAIN, IN_CH), lambda i: (i, 0)),
                  pl.BlockSpec((HALF, IN_CH), lambda i: (0, 0)),
                  pl.BlockSpec((1, HALF), lambda i: (0, 0))],
        out_specs=pl.BlockSpec((BR_MAIN, HALF), lambda i: (i, 0)),
        out_shape=jax.ShapeDtypeStruct((N, HALF), jnp.float32),
    )(inputs, Wp, bp.reshape(1, HALF))


_SC_MESH = plsc.VectorSubcoreMesh(core_axis_name="c", subcore_axis_name="s")


@functools.partial(
    pl.kernel,
    out_type=jax.ShapeDtypeStruct((NSEG_PAD, HALF), jnp.float32),
    mesh=_SC_MESH,
    compiler_params=pltpu.CompilerParams(use_tc_tiling_on_sc=False),
    scratch_types=[
        pltpu.VMEM((RS_DMA,), jnp.int32),
        pltpu.VMEM((CH, HALF), jnp.float32),
        pltpu.VMEM((SEGB, HALF), jnp.float32),
        pltpu.SemaphoreType.DMA,
        pltpu.SemaphoreType.DMA,
    ],
)
def _segmax_kernel(x_hbm, rs_hbm, xmax_hbm, rs_v, xbuf, xmax_v, sem, semf):
    wid = lax.axis_index("s") * 2 + lax.axis_index("c")
    seg_lo = pl.multiple_of(wid * SEG_PER_W, 8)
    pltpu.sync_copy(rs_hbm.at[pl.ds(seg_lo, RS_DMA)], rs_v)
    r0 = rs_v[pl.ds(0, 16)][0]
    zero16 = jnp.zeros((16,), jnp.float32)

    def stage(r):
        wl = pl.multiple_of(jnp.minimum((r // 8) * 8, N - CH), 8)
        pltpu.async_copy(x_hbm.at[pl.ds(wl, CH)], xbuf, sem).wait()
        return wl

    win0 = stage(r0)

    def seg_body(si, win_lo):
        bounds = rs_v[pl.ds(si, 16)]
        a, b = bounds[0], bounds[1]

        def row_body(r, c):
            a0, a1, wl = c
            need = r >= wl + CH
            new_wl = pl.multiple_of(jnp.where(need, stage_val(r), wl), 8)

            @pl.when(need)
            def _():
                pltpu.async_copy(x_hbm.at[pl.ds(new_wl, CH)], xbuf, sem).wait()

            off = r - new_wl
            return (jnp.maximum(a0, xbuf[off, pl.ds(0, 16)]),
                    jnp.maximum(a1, xbuf[off, pl.ds(16, 16)]),
                    new_wl)

        def stage_val(r):
            return pl.multiple_of(jnp.minimum((r // 8) * 8, N - CH), 8)

        a0, a1, win_lo = lax.fori_loop(a, b, row_body,
                                       (zero16, zero16, win_lo))
        slot = lax.rem(si, SEGB)
        xmax_v[slot, pl.ds(0, 16)] = a0
        xmax_v[slot, pl.ds(16, 16)] = a1

        @pl.when(slot == SEGB - 1)
        def _():
            dst = pl.multiple_of(seg_lo + si - (SEGB - 1), 8)
            pltpu.async_copy(xmax_v, xmax_hbm.at[pl.ds(dst, SEGB)],
                             semf).wait()

        return win_lo

    lax.fori_loop(0, SEG_PER_W, seg_body, win0)


@functools.partial(
    pl.kernel,
    out_type=jax.ShapeDtypeStruct((N, 2 * HALF), jnp.float32),
    mesh=_SC_MESH,
    compiler_params=pltpu.CompilerParams(use_tc_tiling_on_sc=False),
    scratch_types=[
        pltpu.VMEM((GCH,), jnp.int32),
        pltpu.VMEM((GCH, HALF), jnp.float32),
        pltpu.SemaphoreType.DMA,
        pltpu.SemaphoreType.DMA,
        pltpu.SemaphoreType.DMA,
    ],
)
def _gather_kernel(x_hbm, idx_hbm, xmax_hbm, out_hbm, idx_v, gbuf, sem, sem2,
                   sem3):
    wid = lax.axis_index("s") * 2 + lax.axis_index("c")
    base = pl.multiple_of(wid * RPW, 8)

    def do_chunk(row, nrows):
        xcopy = pltpu.async_copy(x_hbm.at[pl.ds(row, nrows)],
                                 out_hbm.at[pl.ds(row, nrows),
                                            pl.ds(0, HALF)], sem3)
        pltpu.async_copy(idx_hbm.at[pl.ds(row, nrows)],
                         idx_v.at[pl.ds(0, nrows)], sem2).wait()
        pltpu.async_copy(xmax_hbm.at[idx_v.at[pl.ds(0, nrows)]],
                         gbuf.at[pl.ds(0, nrows)], sem).wait()
        pltpu.async_copy(gbuf.at[pl.ds(0, nrows)],
                         out_hbm.at[pl.ds(row, nrows), pl.ds(HALF, HALF)],
                         sem2).wait()
        xcopy.wait()

    def chunk_body(k, _):
        do_chunk(pl.multiple_of(base + k * GCH, 8), GCH)
        return 0

    lax.fori_loop(0, RPW // GCH, chunk_body, 0)

    @pl.when(wid == 0)
    def _():
        do_chunk(RPW * NW, TAIL)


def kernel(inputs, unq_inv, W, gamma, beta):
    Wp, bp = _bn_folded_weights(inputs, W, gamma, beta)
    x = _linear_relu(inputs, Wp, bp)
    unq32 = unq_inv.astype(jnp.int32)
    rs = jnp.searchsorted(unq32, jnp.arange(RS_LEN, dtype=jnp.int32),
                          side="left").astype(jnp.int32)
    x_max = _segmax_kernel(x, rs)
    return _gather_kernel(x, unq32, x_max)

# --- scband reference (transcript-rebuilt; emitter-appended) ---
"""Pipeline reference for scband-pfnlayer-v2-1872605741354 (READ-ONLY COPY).

The authoritative reference and input builder live on the scoring server;
editing this copy changes nothing except your own understanding.
"""

import jax, jax.numpy as jnp
import numpy as np

N = 1000000
IN_CH = 10
HALF_OUT = 32  # out_channels // 2 since last_layer=False
NUM_SEGMENTS = 30000
EPS = 1e-3


def setup_inputs(seed: int = 0) -> dict:
    key = jax.random.key(seed)
    k1, k2, k3 = jax.random.split(key, 3)
    inputs = jax.random.normal(k1, (N, IN_CH), dtype=jnp.float32)
    unq_inv = jnp.sort(jax.random.randint(k2, (N,), 0, NUM_SEGMENTS, dtype=jnp.int64))
    # Learned params: Linear(10 -> 32, bias=False) + BatchNorm1d(32)
    W = jax.random.normal(k3, (HALF_OUT, IN_CH), dtype=jnp.float32) * (1.0 / np.sqrt(IN_CH))
    gamma = jnp.ones((HALF_OUT,), dtype=jnp.float32)
    beta = jnp.zeros((HALF_OUT,), dtype=jnp.float32)
    return {"inputs": inputs, "unq_inv": unq_inv, "W": W, "gamma": gamma, "beta": beta}


def reference(inputs, unq_inv, W, gamma, beta):
    # x = self.linear(inputs)  (bias=False)
    x = inputs @ W.T
    # BatchNorm1d in training mode: normalize with batch statistics
    mean = jnp.mean(x, axis=0)
    var = jnp.var(x, axis=0)
    x = (x - mean) / jnp.sqrt(var + EPS) * gamma + beta
    # ReLU
    x = jax.nn.relu(x)
    # scatter_max over segments (pillars)
    x_max = jax.ops.segment_max(x, unq_inv, num_segments=NUM_SEGMENTS, indices_are_sorted=True)
    # last_layer=False: concat per-point features with gathered pillar max
    x_concatenated = jnp.concatenate([x, x_max[unq_inv, :]], axis=1)
    return x_concatenated

if __name__ == "__main__":
    import jax
    _d = setup_inputs()
    print(jax.jit(kernel)(*tuple(_d.values())))

</pallas_src>

<mosaic_0001>
#map = affine_map<(d0, d1) -> (0, 0)>
#map1 = affine_map<(d0, d1) -> (0)>
module attributes {stable_mosaic.version = 14 : i64} {
  func.func @_gather_kernel(%arg0: i32, %arg1: i32, %arg2: memref<1000000x32xf32, #tpu.memory_space<hbm>>, %arg3: memref<1000000xi32, #tpu.memory_space<hbm>>, %arg4: memref<30720x32xf32, #tpu.memory_space<hbm>>, %arg5: memref<1000000x64xf32, #tpu.memory_space<hbm>>, %arg6: memref<976xi32, #tpu.memory_space<vmem>>, %arg7: memref<976x32xf32, #tpu.memory_space<vmem>>, %arg8: memref<!tpu.dma_semaphore, #tpu.memory_space<semaphore_mem>>, %arg9: memref<!tpu.dma_semaphore, #tpu.memory_space<semaphore_mem>>, %arg10: memref<!tpu.dma_semaphore, #tpu.memory_space<semaphore_mem>>) attributes {dimension_semantics = [#tpu.dimension_semantics<core_parallel>, #tpu.dimension_semantics<subcore_parallel>], iteration_bounds = array<i64: 2, 16>, scalar_prefetch = 0 : i64, scratch_operands = 5 : i64, tpu.core_type = #tpu.core_type<sc_vector_subcore>, window_params = [{transform_indices = #map}, {transform_indices = #map1}, {transform_indices = #map}, {transform_indices = #map}]} {
    %mul3A = arith.constant 2 : i32
    %mul3A_0 = arith.muli %arg1, %mul3A : i32
    %add3A = arith.addi %mul3A_0, %arg0 : i32
    %mul3A_1 = arith.constant 31232 : i32
    %mul3A_2 = arith.muli %add3A, %mul3A_1 : i32
    %multiple_of3A = tpu.assume_multiple %mul3A_2, 8 : i32
    %scan3A = arith.constant 0 : i32
    %scan3A_3 = arith.constant 0 : i32
    %scan3A_4 = arith.constant 32 : i32
    %scan3A_5 = arith.addi %scan3A_3, %scan3A_4 : i32
    %scan3A_6 = arith.constant 1 : i32
    %scan3A_7 = scf.for %scan3A_11 = %scan3A_3 to %scan3A_5 step %scan3A_6 iter_args(%scan3A_12 = %scan3A) -> (i32)  : i32 {
      %mul3A_13 = arith.constant 976 : i32
      %mul3A_14 = arith.muli %scan3A_11, %mul3A_13 : i32
      %add3A_15 = arith.addi %multiple_of3A, %mul3A_14 : i32
      %multiple_of3A_16 = tpu.assume_multiple %add3A_15, 8 : i32
      %dma_start3A = arith.constant 0 : i32
      %dma_start3A_17 = tpu.memref_slice %arg5[%multiple_of3A_16, %dma_start3A] : memref<1000000x64xf32, #tpu.memory_space<hbm>> -> memref<976x32xf32, #tpu.memory_space<hbm>>
      %dma_start3A_18 = arith.constant 0 : i32
      %dma_start3A_19 = tpu.memref_slice %arg2[%multiple_of3A_16, %dma_start3A_18] : memref<1000000x32xf32, #tpu.memory_space<hbm>> -> memref<976x32xf32, #tpu.memory_space<hbm>>
      tpu.enqueue_dma source(%dma_start3A_19 : memref<976x32xf32, #tpu.memory_space<hbm>>) target(%dma_start3A_17 : memref<976x32xf32, #tpu.memory_space<hbm>>) target_semaphore(%arg10 : memref<!tpu.dma_semaphore, #tpu.memory_space<semaphore_mem>>)
      %dma_start3A_20 = arith.constant 0 : i32
      %dma_start3A_21 = tpu.memref_slice %arg6[%dma_start3A_20] : memref<976xi32, #tpu.memory_space<vmem>> -> memref<976xi32, #tpu.memory_space<vmem>>
      %dma_start3A_22 = tpu.memref_slice %arg3[%multiple_of3A_16] : memref<1000000xi32, #tpu.memory_space<hbm>> -> memref<976xi32, #tpu.memory_space<hbm>>
      %dma_start3A_23 = arith.constant 0 : i32
      %dma_start3A_24 = tpu.memref_slice %arg6[%dma_start3A_23] : memref<976xi32, #tpu.memory_space<vmem>> -> memref<976xi32, #tpu.memory_space<vmem>>
      %dma_start3A_25 = tpu.memref_slice %arg3[%multiple_of3A_16] : memref<1000000xi32, #tpu.memory_space<hbm>> -> memref<976xi32, #tpu.memory_space<hbm>>
      tpu.enqueue_dma source(%dma_start3A_25 : memref<976xi32, #tpu.memory_space<hbm>>) target(%dma_start3A_24 : memref<976xi32, #tpu.memory_space<vmem>>) target_semaphore(%arg9 : memref<!tpu.dma_semaphore, #tpu.memory_space<semaphore_mem>>)
      %dma_wait3A = arith.constant 0 : i32
      %dma_wait3A_26 = tpu.memref_slice %arg6[%dma_wait3A] : memref<976xi32, #tpu.memory_space<vmem>> -> memref<976xi32, #tpu.memory_space<vmem>>
      %dma_wait3A_27 = tpu.memref_slice %arg3[%multiple_of3A_16] : memref<1000000xi32, #tpu.memory_space<hbm>> -> memref<976xi32, #tpu.memory_space<hbm>>
      %dma_wait3A_28 = arith.constant 0 : i32
      %dma_wait3A_29 = tpu.memref_slice %arg6[%dma_wait3A_28] : memref<976xi32, #tpu.memory_space<vmem>> -> memref<976xi32, #tpu.memory_space<vmem>>
      %dma_wait3A_30 = tpu.memref_slice %arg3[%multiple_of3A_16] : memref<1000000xi32, #tpu.memory_space<hbm>> -> memref<976xi32, #tpu.memory_space<hbm>>
      tpu.wait_dma2 semaphore(%arg9 : memref<!tpu.dma_semaphore, #tpu.memory_space<semaphore_mem>>) src(%dma_wait3A_30 : memref<976xi32, #tpu.memory_space<hbm>>) dst(%dma_wait3A_29 : memref<976xi32, #tpu.memory_space<vmem>>)
      %dma_start3A_31 = arith.constant 0 : i32
      %dma_start3A_32 = arith.constant 0 : i32
      %dma_start3A_33 = tpu.memref_slice %arg7[%dma_start3A_31, %dma_start3A_32] : memref<976x32xf32, #tpu.memory_space<vmem>> -> memref<976x32xf32, #tpu.memory_space<vmem>>
      %dma_start3A_34 = arith.constant 0 : i32
      %dma_start3A_35 = tpu.memref_slice %arg6[%dma_start3A_34] : memref<976xi32, #tpu.memory_space<vmem>> -> memref<976xi32, #tpu.memory_space<vmem>>
      %dma_start3A_36 = arith.constant 0 : i32
      %dma_start3A_37 = arith.constant 0 : i32
      %dma_start3A_38 = tpu.memref_slice %arg4[%dma_start3A_36, %dma_start3A_37] : memref<30720x32xf32, #tpu.memory_space<hbm>> -> memref<30720x32xf32, #tpu.memory_space<hbm>>
      tpu.enqueue_indirect_dma source(%dma_start3A_38 : memref<30720x32xf32, #tpu.memory_space<hbm>>) target(%dma_start3A_33 : memref<976x32xf32, #tpu.memory_space<vmem>>) offsets(%dma_start3A_35 : memref<976xi32, #tpu.memory_space<vmem>>) semaphore(%arg8 : memref<!tpu.dma_semaphore, #tpu.memory_space<semaphore_mem>>)
      %dma_wait3A_39 = arith.constant 0 : i32
      %dma_wait3A_40 = arith.constant 0 : i32
      %dma_wait3A_41 = tpu.memref_slice %arg7[%dma_wait3A_39, %dma_wait3A_40] : memref<976x32xf32, #tpu.memory_space<vmem>> -> memref<976x32xf32, #tpu.memory_space<vmem>>
      %dma_wait3A_42 = arith.constant 0 : i32
      %dma_wait3A_43 = tpu.memref_slice %arg6[%dma_wait3A_42] : memref<976xi32, #tpu.memory_space<vmem>> -> memref<976xi32, #tpu.memory_space<vmem>>
      %dma_wait3A_44 = arith.constant 0 : i32
      %dma_wait3A_45 = arith.constant 0 : i32
      %dma_wait3A_46 = tpu.memref_slice %arg4[%dma_wait3A_44, %dma_wait3A_45] : memref<30720x32xf32, #tpu.memory_space<hbm>> -> memref<30720x32xf32, #tpu.memory_space<hbm>>
      tpu.wait_indirect_dma semaphore(%arg8 : memref<!tpu.dma_semaphore, #tpu.memory_space<semaphore_mem>>) src(%dma_wait3A_46 : memref<30720x32xf32, #tpu.memory_space<hbm>>) dst(%dma_wait3A_41 : memref<976x32xf32, #tpu.memory_space<vmem>>)
      %dma_start3A_47 = arith.constant 0 : i32
      %dma_start3A_48 = arith.constant 0 : i32
      %dma_start3A_49 = tpu.memref_slice %arg7[%dma_start3A_47, %dma_start3A_48] : memref<976x32xf32, #tpu.memory_space<vmem>> -> memref<976x32xf32, #tpu.memory_space<vmem>>
      %dma_start3A_50 = arith.constant 32 : i32
      %dma_start3A_51 = tpu.memref_slice %arg5[%multiple_of3A_16, %dma_start3A_50] : memref<1000000x64xf32, #tpu.memory_space<hbm>> -> memref<976x32xf32, #tpu.memory_space<hbm>>
      %dma_start3A_52 = arith.constant 32 : i32
      %dma_start3A_53 = tpu.memref_slice %arg5[%multiple_of3A_16, %dma_start3A_52] : memref<1000000x64xf32, #tpu.memory_space<hbm>> -> memref<976x32xf32, #tpu.memory_space<hbm>>
      %dma_start3A_54 = arith.constant 0 : i32
      %dma_start3A_55 = arith.constant 0 : i32
      %dma_start3A_56 = tpu.memref_slice %arg7[%dma_start3A_54, %dma_start3A_55] : memref<976x32xf32, #tpu.memory_space<vmem>> -> memref<976x32xf32, #tpu.memory_space<vmem>>
      tpu.enqueue_dma source(%dma_start3A_56 : memref<976x32xf32, #tpu.memory_space<vmem>>) target(%dma_start3A_53 : memref<976x32xf32, #tpu.memory_space<hbm>>) target_semaphore(%arg9 : memref<!tpu.dma_semaphore, #tpu.memory_space<semaphore_mem>>)
      %dma_wait3A_57 = arith.constant 0 : i32
      %dma_wait3A_58 = arith.constant 0 : i32
      %dma_wait3A_59 = tpu.memref_slice %arg7[%dma_wait3A_57, %dma_wait3A_58] : memref<976x32xf32, #tpu.memory_space<vmem>> -> memref<976x32xf32, #tpu.memory_space<vmem>>
      %dma_wait3A_60 = arith.constant 32 : i32
      %dma_wait3A_61 = tpu.memref_slice %arg5[%multiple_of3A_16, %dma_wait3A_60] : memref<1000000x64xf32, #tpu.memory_space<hbm>> -> memref<976x32xf32, #tpu.memory_space<hbm>>
      %dma_wait3A_62 = arith.constant 32 : i32
      %dma_wait3A_63 = tpu.memref_slice %arg5[%multiple_of3A_16, %dma_wait3A_62] : memref<1000000x64xf32, #tpu.memory_space<hbm>> -> memref<976x32xf32, #tpu.memory_space<hbm>>
      %dma_wait3A_64 = arith.constant 0 : i32
      %dma_wait3A_65 = arith.constant 0 : i32
      %dma_wait3A_66 = tpu.memref_slice %arg7[%dma_wait3A_64, %dma_wait3A_65] : memref<976x32xf32, #tpu.memory_space<vmem>> -> memref<976x32xf32, #tpu.memory_space<vmem>>
      tpu.wait_dma2 semaphore(%arg9 : memref<!tpu.dma_semaphore, #tpu.memory_space<semaphore_mem>>) src(%dma_wait3A_66 : memref<976x32xf32, #tpu.memory_space<vmem>>) dst(%dma_wait3A_63 : memref<976x32xf32, #tpu.memory_space<hbm>>)
      %dma_wait3A_67 = arith.constant 0 : i32
      %dma_wait3A_68 = tpu.memref_slice %arg5[%multiple_of3A_16, %dma_wait3A_67] : memref<1000000x64xf32, #tpu.memory_space<hbm>> -> memref<976x32xf32, #tpu.memory_space<hbm>>
      %dma_wait3A_69 = arith.constant 0 : i32
      %dma_wait3A_70 = tpu.memref_slice %arg2[%multiple_of3A_16, %dma_wait3A_69] : memref<1000000x32xf32, #tpu.memory_space<hbm>> -> memref<976x32xf32, #tpu.memory_space<hbm>>
      tpu.wait_dma2 semaphore(%arg10 : memref<!tpu.dma_semaphore, #tpu.memory_space<semaphore_mem>>) src(%dma_wait3A_70 : memref<976x32xf32, #tpu.memory_space<hbm>>) dst(%dma_wait3A_68 : memref<976x32xf32, #tpu.memory_space<hbm>>)
      %scan3A_71 = arith.constant 0 : i32
      scf.yield %scan3A_71 : i32
    }
    %scan3A_8 = arith.constant 32 : i32
    %eq3A = arith.constant 0 : i32
    %eq3A_9 = arith.cmpi eq, %add3A, %eq3A : i32
    %convert_element_type3A = arith.extui %eq3A_9 : i1 to i32
    %cond3A = arith.constant 0 : i32
    %cond3A_10 = arith.cmpi ne, %convert_element_type3A, %cond3A : i32
    scf.if %cond3A_10 {
      %dma_start3A = arith.constant 999424 : i32
      %dma_start3A_11 = arith.constant 0 : i32
      %dma_start3A_12 = tpu.memref_slice %arg5[%dma_start3A, %dma_start3A_11] : memref<1000000x64xf32, #tpu.memory_space<hbm>> -> memref<576x32xf32, #tpu.memory_space<hbm>>
      %dma_start3A_13 = arith.constant 999424 : i32
      %dma_start3A_14 = arith.constant 0 : i32
      %dma_start3A_15 = tpu.memref_slice %arg2[%dma_start3A_13, %dma_start3A_14] : memref<1000000x32xf32, #tpu.memory_space<hbm>> -> memref<576x32xf32, #tpu.memory_space<hbm>>
      tpu.enqueue_dma source(%dma_start3A_15 : memref<576x32xf32, #tpu.memory_space<hbm>>) target(%dma_start3A_12 : memref<576x32xf32, #tpu.memory_space<hbm>>) target_semaphore(%arg10 : memref<!tpu.dma_semaphore, #tpu.memory_space<semaphore_mem>>)
      %dma_start3A_16 = arith.constant 0 : i32
      %dma_start3A_17 = tpu.memref_slice %arg6[%dma_start3A_16] : memref<976xi32, #tpu.memory_space<vmem>> -> memref<576xi32, #tpu.memory_space<vmem>>
      %dma_start3A_18 = arith.constant 999424 : i32
      %dma_start3A_19 = tpu.memref_slice %arg3[%dma_start3A_18] : memref<1000000xi32, #tpu.memory_space<hbm>> -> memref<576xi32, #tpu.memory_space<hbm>>
      %dma_start3A_20 = arith.constant 0 : i32
      %dma_start3A_21 = tpu.memref_slice %arg6[%dma_start3A_20] : memref<976xi32, #tpu.memory_space<vmem>> -> memref<576xi32, #tpu.memory_space<vmem>>
      %dma_start3A_22 = arith.constant 999424 : i32
      %dma_start3A_23 = tpu.memref_slice %arg3[%dma_start3A_22] : memref<1000000xi32, #tpu.memory_space<hbm>> -> memref<576xi32, #tpu.memory_space<hbm>>
      tpu.enqueue_dma source(%dma_start3A_23 : memref<576xi32, #tpu.memory_space<hbm>>) target(%dma_start3A_21 : memref<576xi32, #tpu.memory_space<vmem>>) target_semaphore(%arg9 : memref<!tpu.dma_semaphore, #tpu.memory_space<semaphore_mem>>)
      %dma_wait3A = arith.constant 0 : i32
      %dma_wait3A_24 = tpu.memref_slice %arg6[%dma_wait3A] : memref<976xi32, #tpu.memory_space<vmem>> -> memref<576xi32, #tpu.memory_space<vmem>>
      %dma_wait3A_25 = arith.constant 999424 : i32
      %dma_wait3A_26 = tpu.memref_slice %arg3[%dma_wait3A_25] : memref<1000000xi32, #tpu.memory_space<hbm>> -> memref<576xi32, #tpu.memory_space<hbm>>
      %dma_wait3A_27 = arith.constant 0 : i32
      %dma_wait3A_28 = tpu.memref_slice %arg6[%dma_wait3A_27] : memref<976xi32, #tpu.memory_space<vmem>> -> memref<576xi32, #tpu.memory_space<vmem>>
      %dma_wait3A_29 = arith.constant 999424 : i32
      %dma_wait3A_30 = tpu.memref_slice %arg3[%dma_wait3A_29] : memref<1000000xi32, #tpu.memory_space<hbm>> -> memref<576xi32, #tpu.memory_space<hbm>>
      tpu.wait_dma2 semaphore(%arg9 : memref<!tpu.dma_semaphore, #tpu.memory_space<semaphore_mem>>) src(%dma_wait3A_30 : memref<576xi32, #tpu.memory_space<hbm>>) dst(%dma_wait3A_28 : memref<576xi32, #tpu.memory_space<vmem>>)
      %dma_start3A_31 = arith.constant 0 : i32
      %dma_start3A_32 = arith.constant 0 : i32
      %dma_start3A_33 = tpu.memref_slice %arg7[%dma_start3A_31, %dma_start3A_32] : memref<976x32xf32, #tpu.memory_space<vmem>> -> memref<576x32xf32, #tpu.memory_space<vmem>>
      %dma_start3A_34 = arith.constant 0 : i32
      %dma_start3A_35 = tpu.memref_slice %arg6[%dma_start3A_34] : memref<976xi32, #tpu.memory_space<vmem>> -> memref<576xi32, #tpu.memory_space<vmem>>
      %dma_start3A_36 = arith.constant 0 : i32
      %dma_start3A_37 = arith.constant 0 : i32
      %dma_start3A_38 = tpu.memref_slice %arg4[%dma_start3A_36, %dma_start3A_37] : memref<30720x32xf32, #tpu.memory_space<hbm>> -> memref<30720x32xf32, #tpu.memory_space<hbm>>
      tpu.enqueue_indirect_dma source(%dma_start3A_38 : memref<30720x32xf32, #tpu.memory_space<hbm>>) target(%dma_start3A_33 : memref<576x32xf32, #tpu.memory_space<vmem>>) offsets(%dma_start3A_35 : memref<576xi32, #tpu.memory_space<vmem>>) semaphore(%arg8 : memref<!tpu.dma_semaphore, #tpu.memory_space<semaphore_mem>>)
      %dma_wait3A_39 = arith.constant 0 : i32
      %dma_wait3A_40 = arith.constant 0 : i32
      %dma_wait3A_41 = tpu.memref_slice %arg7[%dma_wait3A_39, %dma_wait3A_40] : memref<976x32xf32, #tpu.memory_space<vmem>> -> memref<576x32xf32, #tpu.memory_space<vmem>>
      %dma_wait3A_42 = arith.constant 0 : i32
      %dma_wait3A_43 = tpu.memref_slice %arg6[%dma_wait3A_42] : memref<976xi32, #tpu.memory_space<vmem>> -> memref<576xi32, #tpu.memory_space<vmem>>
      %dma_wait3A_44 = arith.constant 0 : i32
      %dma_wait3A_45 = arith.constant 0 : i32
      %dma_wait3A_46 = tpu.memref_slice %arg4[%dma_wait3A_44, %dma_wait3A_45] : memref<30720x32xf32, #tpu.memory_space<hbm>> -> memref<30720x32xf32, #tpu.memory_space<hbm>>
      tpu.wait_indirect_dma semaphore(%arg8 : memref<!tpu.dma_semaphore, #tpu.memory_space<semaphore_mem>>) src(%dma_wait3A_46 : memref<30720x32xf32, #tpu.memory_space<hbm>>) dst(%dma_wait3A_41 : memref<576x32xf32, #tpu.memory_space<vmem>>)
      %dma_start3A_47 = arith.constant 0 : i32
      %dma_start3A_48 = arith.constant 0 : i32
      %dma_start3A_49 = tpu.memref_slice %arg7[%dma_start3A_47, %dma_start3A_48] : memref<976x32xf32, #tpu.memory_space<vmem>> -> memref<576x32xf32, #tpu.memory_space<vmem>>
      %dma_start3A_50 = arith.constant 999424 : i32
      %dma_start3A_51 = arith.constant 32 : i32
      %dma_start3A_52 = tpu.memref_slice %arg5[%dma_start3A_50, %dma_start3A_51] : memref<1000000x64xf32, #tpu.memory_space<hbm>> -> memref<576x32xf32, #tpu.memory_space<hbm>>
      %dma_start3A_53 = arith.constant 999424 : i32
      %dma_start3A_54 = arith.constant 32 : i32
      %dma_start3A_55 = tpu.memref_slice %arg5[%dma_start3A_53, %dma_start3A_54] : memref<1000000x64xf32, #tpu.memory_space<hbm>> -> memref<576x32xf32, #tpu.memory_space<hbm>>
      %dma_start3A_56 = arith.constant 0 : i32
      %dma_start3A_57 = arith.constant 0 : i32
      %dma_start3A_58 = tpu.memref_slice %arg7[%dma_start3A_56, %dma_start3A_57] : memref<976x32xf32, #tpu.memory_space<vmem>> -> memref<576x32xf32, #tpu.memory_space<vmem>>
      tpu.enqueue_dma source(%dma_start3A_58 : memref<576x32xf32, #tpu.memory_space<vmem>>) target(%dma_start3A_55 : memref<576x32xf32, #tpu.memory_space<hbm>>) target_semaphore(%arg9 : memref<!tpu.dma_semaphore, #tpu.memory_space<semaphore_mem>>)
      %dma_wait3A_59 = arith.constant 0 : i32
      %dma_wait3A_60 = arith.constant 0 : i32
      %dma_wait3A_61 = tpu.memref_slice %arg7[%dma_wait3A_59, %dma_wait3A_60] : memref<976x32xf32, #tpu.memory_space<vmem>> -> memref<576x32xf32, #tpu.memory_space<vmem>>
      %dma_wait3A_62 = arith.constant 999424 : i32
      %dma_wait3A_63 = arith.constant 32 : i32
      %dma_wait3A_64 = tpu.memref_slice %arg5[%dma_wait3A_62, %dma_wait3A_63] : memref<1000000x64xf32, #tpu.memory_space<hbm>> -> memref<576x32xf32, #tpu.memory_space<hbm>>
      %dma_wait3A_65 = arith.constant 999424 : i32
      %dma_wait3A_66 = arith.constant 32 : i32
      %dma_wait3A_67 = tpu.memref_slice %arg5[%dma_wait3A_65, %dma_wait3A_66] : memref<1000000x64xf32, #tpu.memory_space<hbm>> -> memref<576x32xf32, #tpu.memory_space<hbm>>
      %dma_wait3A_68 = arith.constant 0 : i32
      %dma_wait3A_69 = arith.constant 0 : i32
      %dma_wait3A_70 = tpu.memref_slice %arg7[%dma_wait3A_68, %dma_wait3A_69] : memref<976x32xf32, #tpu.memory_space<vmem>> -> memref<576x32xf32, #tpu.memory_space<vmem>>
      tpu.wait_dma2 semaphore(%arg9 : memref<!tpu.dma_semaphore, #tpu.memory_space<semaphore_mem>>) src(%dma_wait3A_70 : memref<576x32xf32, #tpu.memory_space<vmem>>) dst(%dma_wait3A_67 : memref<576x32xf32, #tpu.memory_space<hbm>>)
      %dma_wait3A_71 = arith.constant 999424 : i32
      %dma_wait3A_72 = arith.constant 0 : i32
      %dma_wait3A_73 = tpu.memref_slice %arg5[%dma_wait3A_71, %dma_wait3A_72] : memref<1000000x64xf32, #tpu.memory_space<hbm>> -> memref<576x32xf32, #tpu.memory_space<hbm>>
      %dma_wait3A_74 = arith.constant 999424 : i32
      %dma_wait3A_75 = arith.constant 0 : i32
      %dma_wait3A_76 = tpu.memref_slice %arg2[%dma_wait3A_74, %dma_wait3A_75] : memref<1000000x32xf32, #tpu.memory_space<hbm>> -> memref<576x32xf32, #tpu.memory_space<hbm>>
      tpu.wait_dma2 semaphore(%arg10 : memref<!tpu.dma_semaphore, #tpu.memory_space<semaphore_mem>>) src(%dma_wait3A_76 : memref<576x32xf32, #tpu.memory_space<hbm>>) dst(%dma_wait3A_73 : memref<576x32xf32, #tpu.memory_space<hbm>>)
    } else {
    }
    return
  }
}

#map = affine_map<(d0, d1) -> (0, 0)>
#map1 = affine_map<(d0, d1) -> (0)>
module attributes {stable_mosaic.version = 14 : i64} {
  func.func @_segmax_kernel(%arg0: i32, %arg1: i32, %arg2: memref<1000000x32xf32, #tpu.memory_space<hbm>>, %arg3: memref<30736xi32, #tpu.memory_space<hbm>>, %arg4: memref<30720x32xf32, #tpu.memory_space<hbm>>, %arg5: memref<976xi32, #tpu.memory_space<vmem>>, %arg6: memref<512x32xf32, #tpu.memory_space<vmem>>, %arg7: memref<64x32xf32, #tpu.memory_space<vmem>>, %arg8: memref<!tpu.dma_semaphore, #tpu.memory_space<semaphore_mem>>, %arg9: memref<!tpu.dma_semaphore, #tpu.memory_space<semaphore_mem>>) attributes {dimension_semantics = [#tpu.dimension_semantics<core_parallel>, #tpu.dimension_semantics<subcore_parallel>], iteration_bounds = array<i64: 2, 16>, scalar_prefetch = 0 : i64, scratch_operands = 5 : i64, tpu.core_type = #tpu.core_type<sc_vector_subcore>, window_params = [{transform_indices = #map}, {transform_indices = #map1}, {transform_indices = #map}]} {
    %mul3A = arith.constant 2 : i32
    %mul3A_0 = arith.muli %arg1, %mul3A : i32
    %add3A = arith.addi %mul3A_0, %arg0 : i32
    %mul3A_1 = arith.constant 960 : i32
    %mul3A_2 = arith.muli %add3A, %mul3A_1 : i32
    %multiple_of3A = tpu.assume_multiple %mul3A_2, 8 : i32
    "tpu.region"() ({
      %run_scoped3A = tpu.sem_alloc : memref<!tpu.dma_semaphore, #tpu.memory_space<semaphore_mem>>
      %dma_start3A_37 = tpu.memref_slice %arg3[%multiple_of3A] : memref<30736xi32, #tpu.memory_space<hbm>> -> memref<976xi32, #tpu.memory_space<hbm>>
      %dma_start3A_38 = tpu.memref_slice %arg3[%multiple_of3A] : memref<30736xi32, #tpu.memory_space<hbm>> -> memref<976xi32, #tpu.memory_space<hbm>>
      tpu.enqueue_dma source(%dma_start3A_38 : memref<976xi32, #tpu.memory_space<hbm>>) target(%arg5 : memref<976xi32, #tpu.memory_space<vmem>>) target_semaphore(%run_scoped3A : memref<!tpu.dma_semaphore, #tpu.memory_space<semaphore_mem>>)
      %dma_wait3A_39 = tpu.memref_slice %arg3[%multiple_of3A] : memref<30736xi32, #tpu.memory_space<hbm>> -> memref<976xi32, #tpu.memory_space<hbm>>
      %dma_wait3A_40 = tpu.memref_slice %arg3[%multiple_of3A] : memref<30736xi32, #tpu.memory_space<hbm>> -> memref<976xi32, #tpu.memory_space<hbm>>
      tpu.wait_dma2 semaphore(%run_scoped3A : memref<!tpu.dma_semaphore, #tpu.memory_space<semaphore_mem>>) src(%dma_wait3A_40 : memref<976xi32, #tpu.memory_space<hbm>>) dst(%arg5 : memref<976xi32, #tpu.memory_space<vmem>>)
      tpu.yield
    }) : () -> ()
    %get3A = arith.constant 0 : index
    %get3A_3 = tpu.vector_load %arg5[%get3A] {strides = array<i32>} : memref<976xi32, #tpu.memory_space<vmem>>, vector<16xi32>,
    %get3A_4 = vector.shape_cast %get3A_3 : vector<16xi32> to vector<16xi32>
    %slice3A = vector.extract_strided_slice %get3A_4 {offsets = [0], sizes = [1], strides = [1]} : vector<16xi32> to vector<1xi32>
    %squeeze3A = vector.extract %slice3A[0] : i32 from vector<1xi32>
    %broadcast_in_dim3A = arith.constant 0.000000e+00 : f32
    %broadcast_in_dim3A_5 = vector.broadcast %broadcast_in_dim3A : f32 to vector<16xf32>
    %jit3A = arith.constant 8 : i32
    %div3A = arith.divsi %squeeze3A, %jit3A : i32
    %sign3A = arith.constant 0 : i32
    %sign3A_6 = arith.cmpi sgt, %squeeze3A, %sign3A : i32
    %sign3A_7 = arith.extui %sign3A_6 : i1 to i32
    %sign3A_8 = arith.constant 0 : i32
    %sign3A_9 = arith.cmpi slt, %squeeze3A, %sign3A_8 : i32
    %sign3A_10 = arith.extui %sign3A_9 : i1 to i32
    %sign3A_11 = arith.subi %sign3A_7, %sign3A_10 : i32
    %sign3A_12 = arith.constant 0 : i32
    %sign3A_13 = arith.cmpi sgt, %jit3A, %sign3A_12 : i32
    %sign3A_14 = arith.extui %sign3A_13 : i1 to i32
    %sign3A_15 = arith.constant 0 : i32
    %sign3A_16 = arith.cmpi slt, %jit3A, %sign3A_15 : i32
    %sign3A_17 = arith.extui %sign3A_16 : i1 to i32
    %sign3A_18 = arith.subi %sign3A_14, %sign3A_17 : i32
    %ne3A = arith.cmpi ne, %sign3A_11, %sign3A_18 : i32
    %rem3A = arith.remsi %squeeze3A, %jit3A : i32
    %ne3A_19 = arith.constant 0 : i32
    %ne3A_20 = arith.cmpi ne, %rem3A, %ne3A_19 : i32
    %and3A = arith.andi %ne3A, %ne3A_20 : i1
    %sub3A = arith.constant 1 : i32
    %sub3A_21 = arith.subi %div3A, %sub3A : i32
    %select_n3A = arith.select %and3A, %sub3A_21, %div3A : i32
    %mul3A_22 = arith.constant 8 : i32
    %mul3A_23 = arith.muli %select_n3A, %mul3A_22 : i32
    %min3A = arith.constant 999488 : i32
    %min3A_24 = arith.minsi %mul3A_23, %min3A : i32
    %multiple_of3A_25 = tpu.assume_multiple %min3A_24, 8 : i32
    %dma_start3A = arith.constant 0 : i32
    %dma_start3A_26 = tpu.memref_slice %arg2[%multiple_of3A_25, %dma_start3A] : memref<1000000x32xf32, #tpu.memory_space<hbm>> -> memref<512x32xf32, #tpu.memory_space<hbm>>
    %dma_start3A_27 = arith.constant 0 : i32
    %dma_start3A_28 = tpu.memref_slice %arg2[%multiple_of3A_25, %dma_start3A_27] : memref<1000000x32xf32, #tpu.memory_space<hbm>> -> memref<512x32xf32, #tpu.memory_space<hbm>>
    tpu.enqueue_dma source(%dma_start3A_28 : memref<512x32xf32, #tpu.memory_space<hbm>>) target(%arg6 : memref<512x32xf32, #tpu.memory_space<vmem>>) target_semaphore(%arg8 : memref<!tpu.dma_semaphore, #tpu.memory_space<semaphore_mem>>)
    %dma_wait3A = arith.constant 0 : i32
    %dma_wait3A_29 = tpu.memref_slice %arg2[%multiple_of3A_25, %dma_wait3A] : memref<1000000x32xf32, #tpu.memory_space<hbm>> -> memref<512x32xf32, #tpu.memory_space<hbm>>
    %dma_wait3A_30 = arith.constant 0 : i32
    %dma_wait3A_31 = tpu.memref_slice %arg2[%multiple_of3A_25, %dma_wait3A_30] : memref<1000000x32xf32, #tpu.memory_space<hbm>> -> memref<512x32xf32, #tpu.memory_space<hbm>>
    tpu.wait_dma2 semaphore(%arg8 : memref<!tpu.dma_semaphore, #tpu.memory_space<semaphore_mem>>) src(%dma_wait3A_31 : memref<512x32xf32, #tpu.memory_space<hbm>>) dst(%arg6 : memref<512x32xf32, #tpu.memory_space<vmem>>)
    %scan3A = arith.constant 0 : i32
    %scan3A_32 = arith.constant 960 : i32
    %scan3A_33 = arith.addi %scan3A, %scan3A_32 : i32
    %scan3A_34 = arith.constant 1 : i32
    %scan3A_35 = scf.for %scan3A_37 = %scan3A to %scan3A_33 step %scan3A_34 iter_args(%scan3A_38 = %multiple_of3A_25) -> (i32)  : i32 {
      %get3A_39 = arith.index_cast %scan3A_37 : i32 to index
      %get3A_40 = tpu.vector_load %arg5[%get3A_39] {strides = array<i32>} : memref<976xi32, #tpu.memory_space<vmem>>, vector<16xi32>,
      %get3A_41 = vector.shape_cast %get3A_40 : vector<16xi32> to vector<16xi32>
      %slice3A_42 = vector.extract_strided_slice %get3A_41 {offsets = [0], sizes = [1], strides = [1]} : vector<16xi32> to vector<1xi32>
      %squeeze3A_43 = vector.extract %slice3A_42[0] : i32 from vector<1xi32>
      %slice3A_44 = vector.extract_strided_slice %get3A_41 {offsets = [1], sizes = [1], strides = [1]} : vector<16xi32> to vector<1xi32>
      %squeeze3A_45 = vector.extract %slice3A_44[0] : i32 from vector<1xi32>
      %while3A = arith.subi %squeeze3A_45, %squeeze3A_43 : i32
      %while3A_46 = arith.addi %squeeze3A_43, %while3A : i32
      %while3A_47 = arith.constant 1 : i32
      %while3A_48 = arith.divsi %while3A, %while3A_47 : i32
      %while3A_49 = arith.muli %while3A_48, %while3A_47 : i32
      %while3A_50 = arith.addi %squeeze3A_43, %while3A_49 : i32
      %while3A_51 = arith.constant 1 : i32
      %while3A_52:3 = scf.for %while3A_68 = %squeeze3A_43 to %while3A_50 step %while3A_51 iter_args(%while3A_69 = %broadcast_in_dim3A_5, %while3A_70 = %broadcast_in_dim3A_5, %while3A_71 = %scan3A_38) -> (vector<16xf32>, vector<16xf32>, i32)  : i32 {
        %add3A_72 = arith.constant 512 : i32
        %add3A_73 = arith.addi %while3A_71, %add3A_72 : i32
        %ge3A = arith.cmpi sge, %while3A_68, %add3A_73 : i32
        %jit3A_74 = arith.constant 8 : i32
        %div3A_75 = arith.divsi %while3A_68, %jit3A_74 : i32
        %sign3A_76 = arith.constant 0 : i32
        %sign3A_77 = arith.cmpi sgt, %while3A_68, %sign3A_76 : i32
        %sign3A_78 = arith.extui %sign3A_77 : i1 to i32
        %sign3A_79 = arith.constant 0 : i32
        %sign3A_80 = arith.cmpi slt, %while3A_68, %sign3A_79 : i32
        %sign3A_81 = arith.extui %sign3A_80 : i1 to i32
        %sign3A_82 = arith.subi %sign3A_78, %sign3A_81 : i32
        %sign3A_83 = arith.constant 0 : i32
        %sign3A_84 = arith.cmpi sgt, %jit3A_74, %sign3A_83 : i32
        %sign3A_85 = arith.extui %sign3A_84 : i1 to i32
        %sign3A_86 = arith.constant 0 : i32
        %sign3A_87 = arith.cmpi slt, %jit3A_74, %sign3A_86 : i32
        %sign3A_88 = arith.extui %sign3A_87 : i1 to i32
        %sign3A_89 = arith.subi %sign3A_85, %sign3A_88 : i32
        %ne3A_90 = arith.cmpi ne, %sign3A_82, %sign3A_89 : i32
        %rem3A_91 = arith.remsi %while3A_68, %jit3A_74 : i32
        %ne3A_92 = arith.constant 0 : i32
        %ne3A_93 = arith.cmpi ne, %rem3A_91, %ne3A_92 : i32
        %and3A_94 = arith.andi %ne3A_90, %ne3A_93 : i1
        %sub3A_95 = arith.constant 1 : i32
        %sub3A_96 = arith.subi %div3A_75, %sub3A_95 : i32
        %select_n3A_97 = arith.select %and3A_94, %sub3A_96, %div3A_75 : i32
        %mul3A_98 = arith.constant 8 : i32
        %mul3A_99 = arith.muli %select_n3A_97, %mul3A_98 : i32
        %min3A_100 = arith.constant 999488 : i32
        %min3A_101 = arith.minsi %mul3A_99, %min3A_100 : i32
        %multiple_of3A_102 = tpu.assume_multiple %min3A_101, 8 : i32
        %select_n3A_103 = arith.select %ge3A, %multiple_of3A_102, %while3A_71 : i32
        %multiple_of3A_104 = tpu.assume_multiple %select_n3A_103, 8 : i32
        %convert_element_type3A_105 = arith.extui %ge3A : i1 to i32
        %cond3A_106 = arith.constant 0 : i32
        %cond3A_107 = arith.cmpi ne, %convert_element_type3A_105, %cond3A_106 : i32
        scf.if %cond3A_107 {
          %dma_start3A_118 = arith.constant 0 : i32
          %dma_start3A_119 = tpu.memref_slice %arg2[%multiple_of3A_104, %dma_start3A_118] : memref<1000000x32xf32, #tpu.memory_space<hbm>> -> memref<512x32xf32, #tpu.memory_space<hbm>>
          %dma_start3A_120 = arith.constant 0 : i32
          %dma_start3A_121 = tpu.memref_slice %arg2[%multiple_of3A_104, %dma_start3A_120] : memref<1000000x32xf32, #tpu.memory_space<hbm>> -> memref<512x32xf32, #tpu.memory_space<hbm>>
          tpu.enqueue_dma source(%dma_start3A_121 : memref<512x32xf32, #tpu.memory_space<hbm>>) target(%arg6 : memref<512x32xf32, #tpu.memory_space<vmem>>) target_semaphore(%arg8 : memref<!tpu.dma_semaphore, #tpu.memory_space<semaphore_mem>>)
          %dma_wait3A_122 = arith.constant 0 : i32
          %dma_wait3A_123 = tpu.memref_slice %arg2[%multiple_of3A_104, %dma_wait3A_122] : memref<1000000x32xf32, #tpu.memory_space<hbm>> -> memref<512x32xf32, #tpu.memory_space<hbm>>
          %dma_wait3A_124 = arith.constant 0 : i32
          %dma_wait3A_125 = tpu.memref_slice %arg2[%multiple_of3A_104, %dma_wait3A_124] : memref<1000000x32xf32, #tpu.memory_space<hbm>> -> memref<512x32xf32, #tpu.memory_space<hbm>>
          tpu.wait_dma2 semaphore(%arg8 : memref<!tpu.dma_semaphore, #tpu.memory_space<semaphore_mem>>) src(%dma_wait3A_125 : memref<512x32xf32, #tpu.memory_space<hbm>>) dst(%arg6 : memref<512x32xf32, #tpu.memory_space<vmem>>)
        } else {
        }
        %sub3A_108 = arith.subi %while3A_68, %multiple_of3A_104 : i32
        %get3A_109 = arith.index_cast %sub3A_108 : i32 to index
        %get3A_110 = arith.constant 0 : index
        %get3A_111 = tpu.vector_load %arg6[%get3A_109, %get3A_110] {strides = array<i32>} : memref<512x32xf32, #tpu.memory_space<vmem>>, vector<1x16xf32>,
        %get3A_112 = vector.shape_cast %get3A_111 : vector<1x16xf32> to vector<16xf32>
        %max3A = arith.maximumf %while3A_69, %get3A_112 : vector<16xf32>
        %get3A_113 = arith.index_cast %sub3A_108 : i32 to index
        %get3A_114 = arith.constant 16 : index
        %get3A_115 = tpu.vector_load %arg6[%get3A_113, %get3A_114] {strides = array<i32>} : memref<512x32xf32, #tpu.memory_space<vmem>>, vector<1x16xf32>,
        %get3A_116 = vector.shape_cast %get3A_115 : vector<1x16xf32> to vector<16xf32>
        %max3A_117 = arith.maximumf %while3A_70, %get3A_116 : vector<16xf32>
        scf.yield %max3A, %max3A_117, %multiple_of3A_104 : vector<16xf32>, vector<16xf32>, i32
      }
      %while3A_53 = arith.constant 1 : i32
      %while3A_54:3 = scf.for %while3A_68 = %while3A_50 to %while3A_46 step %while3A_53 iter_args(%while3A_69 = %while3A_52#0, %while3A_70 = %while3A_52#1, %while3A_71 = %while3A_52#2) -> (vector<16xf32>, vector<16xf32>, i32)  : i32 {
        %add3A_72 = arith.constant 512 : i32
        %add3A_73 = arith.addi %while3A_71, %add3A_72 : i32
        %ge3A = arith.cmpi sge, %while3A_68, %add3A_73 : i32
        %jit3A_74 = arith.constant 8 : i32
        %div3A_75 = arith.divsi %while3A_68, %jit3A_74 : i32
        %sign3A_76 = arith.constant 0 : i32
        %sign3A_77 = arith.cmpi sgt, %while3A_68, %sign3A_76 : i32
        %sign3A_78 = arith.extui %sign3A_77 : i1 to i32
        %sign3A_79 = arith.constant 0 : i32
        %sign3A_80 = arith.cmpi slt, %while3A_68, %sign3A_79 : i32
        %sign3A_81 = arith.extui %sign3A_80 : i1 to i32
        %sign3A_82 = arith.subi %sign3A_78, %sign3A_81 : i32
        %sign3A_83 = arith.constant 0 : i32
        %sign3A_84 = arith.cmpi sgt, %jit3A_74, %sign3A_83 : i32
        %sign3A_85 = arith.extui %sign3A_84 : i1 to i32
        %sign3A_86 = arith.constant 0 : i32
        %sign3A_87 = arith.cmpi slt, %jit3A_74, %sign3A_86 : i32
        %sign3A_88 = arith.extui %sign3A_87 : i1 to i32
        %sign3A_89 = arith.subi %sign3A_85, %sign3A_88 : i32
        %ne3A_90 = arith.cmpi ne, %sign3A_82, %sign3A_89 : i32
        %rem3A_91 = arith.remsi %while3A_68, %jit3A_74 : i32
        %ne3A_92 = arith.constant 0 : i32
        %ne3A_93 = arith.cmpi ne, %rem3A_91, %ne3A_92 : i32
        %and3A_94 = arith.andi %ne3A_90, %ne3A_93 : i1
        %sub3A_95 = arith.constant 1 : i32
        %sub3A_96 = arith.subi %div3A_75, %sub3A_95 : i32
        %select_n3A_97 = arith.select %and3A_94, %sub3A_96, %div3A_75 : i32
        %mul3A_98 = arith.constant 8 : i32
        %mul3A_99 = arith.muli %select_n3A_97, %mul3A_98 : i32
        %min3A_100 = arith.constant 999488 : i32
        %min3A_101 = arith.minsi %mul3A_99, %min3A_100 : i32
        %multiple_of3A_102 = tpu.assume_multiple %min3A_101, 8 : i32
        %select_n3A_103 = arith.select %ge3A, %multiple_of3A_102, %while3A_71 : i32
        %multiple_of3A_104 = tpu.assume_multiple %select_n3A_103, 8 : i32
        %convert_element_type3A_105 = arith.extui %ge3A : i1 to i32
        %cond3A_106 = arith.constant 0 : i32
        %cond3A_107 = arith.cmpi ne, %convert_element_type3A_105, %cond3A_106 : i32
        scf.if %cond3A_107 {
          %dma_start3A_118 = arith.constant 0 : i32
          %dma_start3A_119 = tpu.memref_slice %arg2[%multiple_of3A_104, %dma_start3A_118] : memref<1000000x32xf32, #tpu.memory_space<hbm>> -> memref<512x32xf32, #tpu.memory_space<hbm>>
          %dma_start3A_120 = arith.constant 0 : i32
          %dma_start3A_121 = tpu.memref_slice %arg2[%multiple_of3A_104, %dma_start3A_120] : memref<1000000x32xf32, #tpu.memory_space<hbm>> -> memref<512x32xf32, #tpu.memory_space<hbm>>
          tpu.enqueue_dma source(%dma_start3A_121 : memref<512x32xf32, #tpu.memory_space<hbm>>) target(%arg6 : memref<512x32xf32, #tpu.memory_space<vmem>>) target_semaphore(%arg8 : memref<!tpu.dma_semaphore, #tpu.memory_space<semaphore_mem>>)
          %dma_wait3A_122 = arith.constant 0 : i32
          %dma_wait3A_123 = tpu.memref_slice %arg2[%multiple_of3A_104, %dma_wait3A_122] : memref<1000000x32xf32, #tpu.memory_space<hbm>> -> memref<512x32xf32, #tpu.memory_space<hbm>>
          %dma_wait3A_124 = arith.constant 0 : i32
          %dma_wait3A_125 = tpu.memref_slice %arg2[%multiple_of3A_104, %dma_wait3A_124] : memref<1000000x32xf32, #tpu.memory_space<hbm>> -> memref<512x32xf32, #tpu.memory_space<hbm>>
          tpu.wait_dma2 semaphore(%arg8 : memref<!tpu.dma_semaphore, #tpu.memory_space<semaphore_mem>>) src(%dma_wait3A_125 : memref<512x32xf32, #tpu.memory_space<hbm>>) dst(%arg6 : memref<512x32xf32, #tpu.memory_space<vmem>>)
        } else {
        }
        %sub3A_108 = arith.subi %while3A_68, %multiple_of3A_104 : i32
        %get3A_109 = arith.index_cast %sub3A_108 : i32 to index
        %get3A_110 = arith.constant 0 : index
        %get3A_111 = tpu.vector_load %arg6[%get3A_109, %get3A_110] {strides = array<i32>} : memref<512x32xf32, #tpu.memory_space<vmem>>, vector<1x16xf32>,
        %get3A_112 = vector.shape_cast %get3A_111 : vector<1x16xf32> to vector<16xf32>
        %max3A = arith.maximumf %while3A_69, %get3A_112 : vector<16xf32>
        %get3A_113 = arith.index_cast %sub3A_108 : i32 to index
        %get3A_114 = arith.constant 16 : index
        %get3A_115 = tpu.vector_load %arg6[%get3A_113, %get3A_114] {strides = array<i32>} : memref<512x32xf32, #tpu.memory_space<vmem>>, vector<1x16xf32>,
        %get3A_116 = vector.shape_cast %get3A_115 : vector<1x16xf32> to vector<16xf32>
        %max3A_117 = arith.maximumf %while3A_70, %get3A_116 : vector<16xf32>
        scf.yield %max3A, %max3A_117, %multiple_of3A_104 : vector<16xf32>, vector<16xf32>, i32
      }
      %rem3A_55 = arith.constant 64 : i32
      %rem3A_56 = arith.remsi %scan3A_37, %rem3A_55 : i32
      %swap3A = arith.index_cast %rem3A_56 : i32 to index
      %swap3A_57 = arith.constant 0 : index
      %swap3A_58 = tpu.vector_load %arg7[%swap3A, %swap3A_57] {strides = array<i32>} : memref<64x32xf32, #tpu.memory_space<vmem>>, vector<1x16xf32>,
      %swap3A_59 = vector.shape_cast %swap3A_58 : vector<1x16xf32> to vector<16xf32>
      %swap3A_60 = vector.shape_cast %while3A_54#0 : vector<16xf32> to vector<1x16xf32>
      tpu.vector_store %arg7[%swap3A, %swap3A_57], %swap3A_60 {strides = array<i32>} : memref<64x32xf32, #tpu.memory_space<vmem>>, vector<1x16xf32>,
      %swap3A_61 = arith.index_cast %rem3A_56 : i32 to index
      %swap3A_62 = arith.constant 16 : index
      %swap3A_63 = tpu.vector_load %arg7[%swap3A_61, %swap3A_62] {strides = array<i32>} : memref<64x32xf32, #tpu.memory_space<vmem>>, vector<1x16xf32>,
      %swap3A_64 = vector.shape_cast %swap3A_63 : vector<1x16xf32> to vector<16xf32>
      %swap3A_65 = vector.shape_cast %while3A_54#1 : vector<16xf32> to vector<1x16xf32>
      tpu.vector_store %arg7[%swap3A_61, %swap3A_62], %swap3A_65 {strides = array<i32>} : memref<64x32xf32, #tpu.memory_space<vmem>>, vector<1x16xf32>,
      %eq3A = arith.constant 63 : i32
      %eq3A_66 = arith.cmpi eq, %rem3A_56, %eq3A : i32
      %convert_element_type3A = arith.extui %eq3A_66 : i1 to i32
      %cond3A = arith.constant 0 : i32
      %cond3A_67 = arith.cmpi ne, %convert_element_type3A, %cond3A : i32
      scf.if %cond3A_67 {
        %add3A_68 = arith.addi %multiple_of3A, %scan3A_37 : i32
        %sub3A_69 = arith.constant 63 : i32
        %sub3A_70 = arith.subi %add3A_68, %sub3A_69 : i32
        %multiple_of3A_71 = tpu.assume_multiple %sub3A_70, 8 : i32
        %dma_start3A_72 = arith.constant 0 : i32
        %dma_start3A_73 = tpu.memref_slice %arg4[%multiple_of3A_71, %dma_start3A_72] : memref<30720x32xf32, #tpu.memory_space<hbm>> -> memref<64x32xf32, #tpu.memory_space<hbm>>
        %dma_start3A_74 = arith.constant 0 : i32
        %dma_start3A_75 = tpu.memref_slice %arg4[%multiple_of3A_71, %dma_start3A_74] : memref<30720x32xf32, #tpu.memory_space<hbm>> -> memref<64x32xf32, #tpu.memory_space<hbm>>
        tpu.enqueue_dma source(%arg7 : memref<64x32xf32, #tpu.memory_space<vmem>>) target(%dma_start3A_75 : memref<64x32xf32, #tpu.memory_space<hbm>>) target_semaphore(%arg9 : memref<!tpu.dma_semaphore, #tpu.memory_space<semaphore_mem>>)
        %dma_wait3A_76 = arith.constant 0 : i32
        %dma_wait3A_77 = tpu.memref_slice %arg4[%multiple_of3A_71, %dma_wait3A_76] : memref<30720x32xf32, #tpu.memory_space<hbm>> -> memref<64x32xf32, #tpu.memory_space<hbm>>
        %dma_wait3A_78 = arith.constant 0 : i32
        %dma_wait3A_79 = tpu.memref_slice %arg4[%multiple_of3A_71, %dma_wait3A_78] : memref<30720x32xf32, #tpu.memory_space<hbm>> -> memref<64x32xf32, #tpu.memory_space<hbm>>
        tpu.wait_dma2 semaphore(%arg9 : memref<!tpu.dma_semaphore, #tpu.memory_space<semaphore_mem>>) src(%arg7 : memref<64x32xf32, #tpu.memory_space<vmem>>) dst(%dma_wait3A_79 : memref<64x32xf32, #tpu.memory_space<hbm>>)
      } else {
      }
      scf.yield %while3A_54#2 : i32
    }
    %scan3A_36 = arith.constant 960 : i32
    return
  }
}

module attributes {stable_mosaic.version = 14 : i64} {
  func.func @_stats_body(%arg0: i32, %arg1: memref<20000x10xf32, #tpu.memory_space<vmem>>, %arg2: memref<1x10xf32, #tpu.memory_space<vmem>>, %arg3: memref<10x10xf32, #tpu.memory_space<vmem>>) attributes {dimension_semantics = [#tpu.dimension_semantics<arbitrary>], iteration_bounds = array<i64: 50>, scalar_prefetch = 0 : i64, scratch_operands = 0 : i64, tpu.core_type = #tpu.core_type<tc>, window_params = [{transform_indices = @transform_0, window_bounds = array<i64: 20000, 10>}, {pipeline_mode = #tpu.pipeline_mode<synchronous>, transform_indices = @transform_1, window_bounds = array<i64: 1, 10>}, {pipeline_mode = #tpu.pipeline_mode<synchronous>, transform_indices = @transform_2, window_bounds = array<i64: 10, 10>}]} {
    %get3A = arith.constant 0 : index
    %get3A_0 = arith.constant 0 : index
    %get3A_1 = vector.load %arg1[%get3A, %get3A_0] : memref<20000x10xf32, #tpu.memory_space<vmem>>, vector<20000x10xf32>
    %eq3A = arith.constant 0 : i32
    %eq3A_2 = arith.cmpi eq, %arg0, %eq3A : i32
    %convert_element_type3A = arith.extui %eq3A_2 : i1 to i32
    %cond3A = arith.constant 0 : i32
    %cond3A_3 = arith.cmpi ne, %convert_element_type3A, %cond3A : i32
    scf.if %cond3A_3 {
      %broadcast_in_dim3A_18 = arith.constant 0.000000e+00 : f32
      %broadcast_in_dim3A_19 = vector.broadcast %broadcast_in_dim3A_18 : f32 to vector<1x10xf32>
      %swap3A_20 = arith.constant 0 : index
      %swap3A_21 = arith.constant 0 : index
      %swap3A_22 = vector.load %arg2[%swap3A_20, %swap3A_21] : memref<1x10xf32, #tpu.memory_space<vmem>>, vector<1x10xf32>
      tpu.vector_store %arg2[%swap3A_20, %swap3A_21], %broadcast_in_dim3A_19 {strides = array<i32>} : memref<1x10xf32, #tpu.memory_space<vmem>>, vector<1x10xf32>,
      %broadcast_in_dim3A_23 = arith.constant 0.000000e+00 : f32
      %broadcast_in_dim3A_24 = vector.broadcast %broadcast_in_dim3A_23 : f32 to vector<10x10xf32>
      %swap3A_25 = arith.constant 0 : index
      %swap3A_26 = arith.constant 0 : index
      %swap3A_27 = vector.load %arg3[%swap3A_25, %swap3A_26] : memref<10x10xf32, #tpu.memory_space<vmem>>, vector<10x10xf32>
      tpu.vector_store %arg3[%swap3A_25, %swap3A_26], %broadcast_in_dim3A_24 {strides = array<i32>} : memref<10x10xf32, #tpu.memory_space<vmem>>, vector<10x10xf32>,
    } else {
    }
    %get3A_4 = arith.constant 0 : index
    %get3A_5 = arith.constant 0 : index
    %get3A_6 = vector.load %arg2[%get3A_4, %get3A_5] : memref<1x10xf32, #tpu.memory_space<vmem>>, vector<1x10xf32>
    %reduce_sum3A = arith.constant dense<0.000000e+00> : vector<10xf32>
    %reduce_sum3A_7 = vector.multi_reduction <add>, %get3A_1, %reduce_sum3A [0] : vector<20000x10xf32> to vector<10xf32>
    %broadcast_in_dim3A = vector.shape_cast %reduce_sum3A_7 : vector<10xf32> to vector<1x10xf32>
    %add3A = arith.addf %get3A_6, %broadcast_in_dim3A : vector<1x10xf32>
    %swap3A = arith.constant 0 : index
    %swap3A_8 = arith.constant 0 : index
    %swap3A_9 = vector.load %arg2[%swap3A, %swap3A_8] : memref<1x10xf32, #tpu.memory_space<vmem>>, vector<1x10xf32>
    tpu.vector_store %arg2[%swap3A, %swap3A_8], %add3A {strides = array<i32>} : memref<1x10xf32, #tpu.memory_space<vmem>>, vector<1x10xf32>,
    %get3A_10 = arith.constant 0 : index
    %get3A_11 = arith.constant 0 : index
    %get3A_12 = vector.load %arg3[%get3A_10, %get3A_11] : memref<10x10xf32, #tpu.memory_space<vmem>>, vector<10x10xf32>
    %dot_general3A = arith.constant dense<0.000000e+00> : vector<10x10xf32>
    %dot_general3A_13 = tpu.matmul %get3A_1, %get3A_1, %dot_general3A {dimension_numbers = #tpu.dot_dimension_numbers<[0], [0], [1], [1], [0, 1, 1, 1], [], []>, transpose_lhs_hint = false} : vector<20000x10xf32>, vector<20000x10xf32>, vector<10x10xf32> -> vector<10x10xf32>
    %add3A_14 = arith.addf %get3A_12, %dot_general3A_13 : vector<10x10xf32>
    %swap3A_15 = arith.constant 0 : index
    %swap3A_16 = arith.constant 0 : index
    %swap3A_17 = vector.load %arg3[%swap3A_15, %swap3A_16] : memref<10x10xf32, #tpu.memory_space<vmem>>, vector<10x10xf32>
    tpu.vector_store %arg3[%swap3A_15, %swap3A_16], %add3A_14 {strides = array<i32>} : memref<10x10xf32, #tpu.memory_space<vmem>>, vector<10x10xf32>,
    return
  }
  func.func @transform_0(%arg0: i32) -> (i32, i32) {
    %c0_i32 = arith.constant 0 : i32
    %c0_i32_0 = arith.constant 0 : i32
    return %arg0, %c0_i32 : i32, i32
  }
  func.func @transform_1(%arg0: i32) -> (i32, i32) {
    %c0_i32 = arith.constant 0 : i32
    %c0_i32_0 = arith.constant 0 : i32
    %c0_i32_1 = arith.constant 0 : i32
    return %c0_i32, %c0_i32_0 : i32, i32
  }
  func.func @transform_2(%arg0: i32) -> (i32, i32) {
    %c0_i32 = arith.constant 0 : i32
    %c0_i32_0 = arith.constant 0 : i32
    %c0_i32_1 = arith.constant 0 : i32
    return %c0_i32, %c0_i32_0 : i32, i32
  }
}

module attributes {stable_mosaic.version = 14 : i64} {
  func.func @_main_body(%arg0: i32, %arg1: memref<10000x10xf32, #tpu.memory_space<vmem>>, %arg2: memref<32x10xf32, #tpu.memory_space<vmem>>, %arg3: memref<1x32xf32, #tpu.memory_space<vmem>>, %arg4: memref<10000x32xf32, #tpu.memory_space<vmem>>) attributes {dimension_semantics = [#tpu.dimension_semantics<arbitrary>], iteration_bounds = array<i64: 100>, scalar_prefetch = 0 : i64, scratch_operands = 0 : i64, tpu.core_type = #tpu.core_type<tc>, window_params = [{transform_indices = @transform_0, window_bounds = array<i64: 10000, 10>}, {pipeline_mode = #tpu.pipeline_mode<synchronous>, transform_indices = @transform_1, window_bounds = array<i64: 32, 10>}, {pipeline_mode = #tpu.pipeline_mode<synchronous>, transform_indices = @transform_2, window_bounds = array<i64: 1, 32>}, {transform_indices = @transform_3, window_bounds = array<i64: 10000, 32>}]} {
    %get3A = arith.constant 0 : index
    %get3A_0 = arith.constant 0 : index
    %get3A_1 = vector.load %arg1[%get3A, %get3A_0] : memref<10000x10xf32, #tpu.memory_space<vmem>>, vector<10000x10xf32>
    %get3A_2 = arith.constant 0 : index
    %get3A_3 = arith.constant 0 : index
    %get3A_4 = vector.load %arg2[%get3A_2, %get3A_3] : memref<32x10xf32, #tpu.memory_space<vmem>>, vector<32x10xf32>
    %dot_general3A = arith.constant dense<0.000000e+00> : vector<10000x32xf32>
    %dot_general3A_5 = tpu.matmul %get3A_1, %get3A_4, %dot_general3A {dimension_numbers = #tpu.dot_dimension_numbers<[1], [1], [0], [0], [0, 0, 1, 0], [], []>, transpose_lhs_hint = false} : vector<10000x10xf32>, vector<32x10xf32>, vector<10000x32xf32> -> vector<10000x32xf32>
    %get3A_6 = arith.constant 0 : index
    %get3A_7 = arith.constant 0 : index
    %get3A_8 = vector.load %arg3[%get3A_6, %get3A_7] : memref<1x32xf32, #tpu.memory_space<vmem>>, vector<1x32xf32>
    %add3A = vector.broadcast %get3A_8 : vector<1x32xf32> to vector<10000x32xf32>
    %add3A_9 = arith.addf %dot_general3A_5, %add3A : vector<10000x32xf32>
    %max3A = arith.constant 0.000000e+00 : f32
    %max3A_10 = vector.broadcast %max3A : f32 to vector<10000x32xf32>
    %max3A_11 = arith.maximumf %add3A_9, %max3A_10 : vector<10000x32xf32>
    %swap3A = arith.constant 0 : index
    %swap3A_12 = arith.constant 0 : index
    %swap3A_13 = vector.load %arg4[%swap3A, %swap3A_12] : memref<10000x32xf32, #tpu.memory_space<vmem>>, vector<10000x32xf32>
    tpu.vector_store %arg4[%swap3A, %swap3A_12], %max3A_11 {strides = array<i32>} : memref<10000x32xf32, #tpu.memory_space<vmem>>, vector<10000x32xf32>,
    return
  }
  func.func @transform_0(%arg0: i32) -> (i32, i32) {
    %c0_i32 = arith.constant 0 : i32
    %c0_i32_0 = arith.constant 0 : i32
    return %arg0, %c0_i32 : i32, i32
  }
  func.func @transform_1(%arg0: i32) -> (i32, i32) {
    %c0_i32 = arith.constant 0 : i32
    %c0_i32_0 = arith.constant 0 : i32
    %c0_i32_1 = arith.constant 0 : i32
    return %c0_i32, %c0_i32_0 : i32, i32
  }
  func.func @transform_2(%arg0: i32) -> (i32, i32) {
    %c0_i32 = arith.constant 0 : i32
    %c0_i32_0 = arith.constant 0 : i32
    %c0_i32_1 = arith.constant 0 : i32
    return %c0_i32, %c0_i32_0 : i32, i32
  }
  func.func @transform_3(%arg0: i32) -> (i32, i32) {
    %c0_i32 = arith.constant 0 : i32
    %c0_i32_0 = arith.constant 0 : i32
    return %arg0, %c0_i32 : i32, i32
  }
}

</mosaic_0001>

<sc_bundles>
// kernel: gather_offload_async_start
scs
__scs_entry_jumppad:
0x0: {  	(pc) =	sbr.rel $0x88, $3  }
0x1: {  	(tag) =	ssettag $0x0;
	lr =	simm.s32 $0x1  }
0x2: {  	[smem:$0x3F9C] =	sst lr;
	_ =	strace $0xD0000000  }
0x3: {  	_ = 	snop  }
0x4: {  	_ = 	snop  }
0x5: {  	_ = 	snop  }
0x6: {  	_ = 	snop  }
0x7: {  	_ = 	snop  }
__scs_overlays_trampoline_lowered:
0x8: {  	[smem:$0x3FAB] =	sst s0  }
0x9: {  	[smem:$0x3FAC] =	sst s1  }
0xa: {  	[smem:$0x3FAD] =	sst s2  }
0xb: {  	[smem:$0x3FAE] =	sst s3  }
0xc: {  	[smem:$0x3FAF] =	sst s4  }
0xd: {  	[smem:$0x3FB0] =	sst s5  }
0xe: {  	[smem:$0x3FB1] =	sst s6  }
0xf: {  	[smem:$0x3FB2] =	sst s7  }
0x10: {  	[smem:$0x3FB3] =	sst s8  }
0x11: {  	[smem:$0x3FB4] =	sst s9;
	s0 =	simm.s32 @!p0 $0x0  }
0x12: {  	s1 =	sld [smem:$0x3F9A];
	s0 =	simm.s32 @p0 $0x1  }
0x13: {  	[smem:$0x3FB5] =	sst s0;
	s0 =	simm.s32 @!p1 $0x0  }
0x14: {  	s2 =	sld [smem:$0x3F99];
	s0 =	simm.s32 @p1 $0x1  }
0x15: {  	[smem:$0x3FB6] =	sst s0;
	s0 =	simm.s32 @!p2 $0x0  }
0x16: {  	s3 =	sld [smem:$0x3FDB];
	s0 =	simm.s32 @p2 $0x1  }
0x17: {  	s4 =	simm.s32 $0x1BF5;
	[smem:$0x3FB8] =	sst s0  }
0x18: {  	s0 =	sld [smem:$0x3F9B];
	_ =	swait.ge [sflag:s4], $0x0  }
0x19: {  	s7 =	sld [smem:$0x3F9C]  }
0x1a: {  	s8 =	sadd.s32 $0xFFFFE003, lr  }
0x1b: {  	s9 =	sadd.s32 $0xFFFFFEF7, lr;
	s5 =	simm.s32 $0xFFFFFFFF;
	p2 =	slt.u32 s8, $0xFFFFF086  }
0x1c: {  	p1 =	slt.u32 s9, $0xF7A;
	s5 =	simm.s32 @!p2 $0x0  }
0x1d: {  	s5 =	simm.s32 @p1 $0x1;
	p0 =	seq.s32 s7, s2  }
0x1e: {  	s7 =	smul.u32 @!p0 $0xF7A, s2;
	p2 =	seq.s32 @!p0 s5, $0x0  }
0x1f: {  	s9 =	smul.u32 $0xF7A, s1;
	s8 =	simm.s32 @!p0 $0x1BF5;
	p2 =	por !p2, p0  }
0x20: {  	[sflag:s8] =	ssyncset.s32 @!p0 $0xFFFFF086;
	s6 =	sadd.s32 @!p0 s3, s7;
	s7 =	simm.s32 @!p0 $0x108  }
0x21: {  	s3 =	sadd.s32 s3, s9;
	s6 =	sadd.s32 @!p0 $0x88, s6;
	s7 =	simm.s32 @p2 $0x1082  }
0x22: {  	[simem:s7], [sflag:s8] =	dma.local @!p0 [hbm:s6], $0xF7A  }
0x23: {  	s9 =	sor.u32 $0xD0000000, s2;
	s6 =	simm.s32 $0x108;
	_ =	swait.ge @!p0 [sflag:s8], $0x0  }
0x24: {  	s3 =	sadd.s32 $0x88, s3;
	s6 =	simm.s32 @!p1 $0x1082;
	[sflag:s4] =	ssyncset.s32 $0xFFFFF086  }
0x25: {  	[simem:s6], [sflag:s4] =	dma.local [hbm:s3], $0xF7A  }
0x26: {  	[smem:$0x3F9C] =	sst s1;
	(tag) =	ssettag s2;
	_ =	strace s9  }
0x27: {  	s1 =	sld [smem:$0x3FAC]  }
0x28: {  	s2 =	sld [smem:$0x3FAD]  }
0x29: {  	s4 =	sld [smem:$0x3FAF]  }
0x2a: {  	p0 =	seq.s32 s5, $0x0;
	s5 =	sld [smem:$0x3FB0]  }
0x2b: {  	s6 =	sld [smem:$0x3FB1]  }
0x2c: {  	s7 =	sld [smem:$0x3FB2]  }
0x2d: {  	s3 =	simm.s32 $0x108;
	s8 =	sld [smem:$0x3FB3]  }
0x2e: {  	s3 =	simm.s32 @!p0 $0x1082;
	s9 =	sld [smem:$0x3FB4]  }
0x2f: {  	lr =	sadd.s32 s0, s3;
	s0 =	sld [smem:$0x3FAB]  }
0x30: {  	s3 =	sld [smem:$0x3FAE]  }
0x31: {  	[smem:$0x3FB7] =	sst s10  }
0x32: {  	s10 =	sld [smem:$0x3FB5];
	_ =	sdelay $0x3  }
0x33: {  	p0 =	seq.s32 s10, $0x1;
	s10 =	sld [smem:$0x3FB7];
	_ =	sdelay $0x3  }
0x34: {  	[smem:$0x3FB7] =	sst s10  }
0x35: {  	s10 =	sld [smem:$0x3FB6];
	_ =	sdelay $0x3  }
0x36: {  	p1 =	seq.s32 s10, $0x1;
	s10 =	sld [smem:$0x3FB7];
	_ =	sdelay $0x3  }
0x37: {  	[smem:$0x3FB7] =	sst s10  }
0x38: {  	s10 =	sld [smem:$0x3FB8]  }
0x39: {  	_ = 	snop;
	(pc) =	sbr.ind lr, $3  }
0x3a: {  	_ = 	snop  }
0x3b: {  	_ = 	snop  }
0x3c: {  	p2 =	seq.s32 s10, $0x1;
	s10 =	sld [smem:$0x3FB7]  }
0x3d: {  	_ =	shalt  }
0x3e: {  	_ =	shalt  }
0x3f: {  	_ =	shalt  }
0x40: {  	_ =	shalt  }
0x41: {  	_ =	shalt  }
0x42: {  	_ =	shalt  }
0x43: {  	_ =	shalt  }
0x44: {  	_ =	shalt  }
0x45: {  	_ =	shalt  }
0x46: {  	_ =	shalt  }
0x47: {  	_ =	shalt  }
0x48: {  	_ =	shalt  }
0x49: {  	_ =	shalt  }
0x4a: {  	_ =	shalt  }
0x4b: {  	_ =	shalt  }
0x4c: {  	_ =	shalt  }
0x4d: {  	_ =	shalt  }
0x4e: {  	_ =	shalt  }
0x4f: {  	_ =	shalt  }
0x50: {  	_ =	shalt  }
0x51: {  	_ =	shalt  }
0x52: {  	_ =	shalt  }
0x53: {  	_ =	shalt  }
0x54: {  	_ =	shalt  }
0x55: {  	_ =	shalt  }
0x56: {  	_ =	shalt  }
0x57: {  	_ =	shalt  }
0x58: {  	_ =	shalt  }
0x59: {  	_ =	shalt  }
0x5a: {  	_ =	shalt  }
0x5b: {  	_ =	shalt  }
0x5c: {  	_ =	shalt  }
0x5d: {  	_ =	shalt  }
0x5e: {  	_ =	shalt  }
0x5f: {  	_ =	shalt  }
0x60: {  	_ =	shalt  }
0x61: {  	_ =	shalt  }
0x62: {  	_ =	shalt  }
0x63: {  	_ =	shalt  }
0x64: {  	_ =	shalt  }
0x65: {  	_ =	shalt  }
0x66: {  	_ =	shalt  }
0x67: {  	_ =	shalt  }
0x68: {  	_ =	shalt  }
0x69: {  	_ =	shalt  }
0x6a: {  	_ =	shalt  }
0x6b: {  	_ =	shalt  }
0x6c: {  	_ =	shalt  }
0x6d: {  	_ =	shalt  }
0x6e: {  	_ =	shalt  }
0x6f: {  	_ =	shalt  }
0x70: {  	_ =	shalt  }
0x71: {  	_ =	shalt  }
0x72: {  	_ =	shalt  }
0x73: {  	_ =	shalt  }
0x74: {  	_ =	shalt  }
0x75: {  	_ =	shalt  }
0x76: {  	_ =	shalt  }
0x77: {  	_ =	shalt  }
0x78: {  	_ =	shalt  }
0x79: {  	_ =	shalt  }
0x7a: {  	_ =	shalt  }
0x7b: {  	_ =	shalt  }
0x7c: {  	_ =	shalt  }
0x7d: {  	_ =	shalt  }
0x7e: {  	_ =	shalt  }
0x7f: {  	_ =	shalt  }
0x80: {  	_ =	shalt  }
0x81: {  	_ =	shalt  }
0x82: {  	_ =	shalt  }
0x83: {  	_ =	shalt  }
0x84: {  	_ =	shalt  }
0x85: {  	_ =	shalt  }
0x86: {  	_ =	shalt  }
0x87: {  	_ =	shalt  }
.Lfunc_end0:
.L_simem_size_0:
called_computation.1_lowered:
.L_overlay_start_0:
0x88: {  	s0 =	sld [smem:$0x3FD9]  }
0x89: {  	s1 =	sld [smem:$0x3FFE];
	_ =	sdelay $0x3  }
0x8a: {  	s0 =	sadd.s32 s1, s0  }
0x8b: {  	[smem:$0x3FC3] =	sst s0  }
0x8c: {  	_ = 	snop  }
0x8d: {  	s0 =	sld [smem:$0x3FC8]  }
0x8e: {  	s16 =	sld [smem:$0x3FD0];
	(tm) =	ssettm $0x1  }
0x8f: {  	s2 =	sld [smem:$0x3FFB];
	_ =	sdelay $0x3  }
0x90: {  	_ =	strace s2  }
0x91: {  	s2 =	sld [smem:$0x3FFC];
	_ =	sdelay $0x3  }
0x92: {  	_ =	strace s2  }
0x93: {  	s2 =	sld [smem:$0x3FFD];
	_ =	sdelay $0x3  }
0x94: {  	_ =	strace s2  }
0x95: {  	_ =	strace $0x8FFFFFFF  }
0x96: {  	s17 =	sld [smem:$0x3FDB];
	_ =	sdelay $0x1  }
0x97: {  	s3 =	simm.s32 $_scs_section_size  }
0x98: {  	s4 =	simm.s32 $_size__tile_overlayer_lowered;
	s5 =	simm.s32 $_tile_overlayer_lowered  }
0x99: {  	s20 =	simm.s32 $0x1BFF;
	s19 =	sshll.u32 s5, $0x1;
	s2 =	sadd.s32 s3, s17  }
0x9a: {  	s6 =	simm.s32 $0x0;
	s18 =	sshll.u32 s4, $0x1;
	s4 =	sadd.s32 s19, s2  }
0x9b: {  	[timem:s6], [sflag:s20] =	dma.local [hbm:s4], s18  }
0x9c: {  	_ =	swait.ge [sflag:s20], s18  }
0x9d: {  	s3 =	ssub.s32 $0x0, s18;
	[sflag:s20] =	ssyncset.done $0x0  }
0x9e: {  	[sflag:s20] =	ssyncadd.s32 s3;
	_ =	sdelay $0x1  }
0x9f: {  	s21 =	simm.s32 $0x1B8B  }
0xa0: {  	_ =	swait.ge [sflag:s21], $0x1  }
0xa1: {  	[sflag:s21] =	ssyncset.done $0x0  }
0xa2: {  	s23 =	simm.s32 $0x1B8E;
	s22 =	sld [smem:$0x3FFE];
	[sflag:s21] =	ssyncadd.s32 $0xFFFFFFFF  }
0xa3: {  	s24 =	simm.s32 $execute0_lowered;
	[smem:$0x3FD2] =	sst s23  }
0xa4: {  	s4 =	sshll.u32 s24, $0x1;
	_ =	strace $0x8000004F;
	[dreg:$0x1] =	wrdreg $0xFFFFFFFF  }
0xa5: {  	s25 =	simm.s32 $_size_execute0_lowered;
	s2 =	sadd.s32 s2, s4;
	[dreg:$0x0] =	wrdreg $0x0  }
0xa6: {  	s4 =	sshll.u32 s25, $0x1;
	[dreg:$0x2] =	wrdreg s2  }
0xa7: {  	[dreg:$0x3] =	wrdreg s4  }
0xa8: {  	[dreg:$0x4] =	wrdreg $0xC0  }
0xa9: {  	_ =	task [dreg:s6], $0x5FFFF  }
0xaa: {  	[dreg:$0x1] =	wrdreg $0xFFFFFFFF  }
0xab: {  	[dreg:$0x0] =	wrdreg $0x60  }
0xac: {  	[dreg:$0x2] =	wrdreg s0  }
0xad: {  	[dreg:$0x3] =	wrdreg s16  }
0xae: {  	[dreg:$0x4] =	wrdreg s22  }
0xaf: {  	[dreg:$0x5] =	wrdreg $0x9  }
0xb0: {  	_ =	task.clear_ibuf [dreg:s6], $0x6FFFF;
	_ =	strace $0x9000004F  }
0xb1: {  	s26 =	simm.s32 $0x9;
	_ =	strace $0x80000051  }
0xb2: {  	_ =	swait.ge [sflag:s26], $0x1  }
0xb3: {  	[sflag:s26] =	ssyncadd.s32 $0xFFFFFFFF  }
0xb4: {  	_ =	strace $0x90000051  }
0xb5: {  	_ =	sfence  }
0xb6: {  	s28 =	sld [smem:$0x0];
	_ =	sdelay $0x1  }
0xb7: {  	s29 =	srdreg.scid  }
0xb8: {  	s30 =	sshll.u32 s29, $0xD;
	s31 =	sshrl.u32 s29, $0x2  }
0xb9: {  	s1 =	sand.u32 $0x1, s29;
	s2 =	sand.u32 $0x4000, s30;
	s0 =	sadd.s32 s31, s28  }
0xba: {  	s1 =	sor.u32 s2, s1;
	s0 =	sshll.u32 s0, $0x11  }
0xbb: {  	s0 =	sor.u32 s0, s1  }
0xbc: {  	s0 =	sadd.s32 $0x8F2B, s0  }
0xbd: {  	[sflag:s0] =	ssyncadd.remote.s32 $0x1  }
0xbe: {  	_ =	sfence.sel $0xFFFF  }
0xbf: {  	[dreg:$0x0] =	wrdreg $0xFFFFFFFF;
	(pc) =	sbr.abs _section_cstart, $3  }
0xc0: {  	[dreg:$0x1] =	wrdreg $0xFFFFFFFF  }
0xc1: {  	_ =	task.clear_ibuf [dreg:s6], $0x2FFFF;
	_ =	strace $0x9FFFFFFF  }
0xc2: {  	(tm) =	ssettm $0x7FFFFFFF  }
0xc3: {  	_ =	shalt  }
tec
execute0_lowered:
.L_overlay_start_1:
0x0: {  	(tag) =	ssettag $0x1  }
0x1: {  	s2 =	rddreg [dreg:$0x0]  }
0x2: {  	s3 =	rddreg [dreg:$0x1]  }
0x3: {  	s8 =	rddreg [dreg:$0x2]  }
0x4: {  	s0 =	rddreg [dreg:$0x3];
	s1 =	stileid.u32;
	_ =	strace $0x80000050  }
0x5: {  	s5 =	simm.s32 $0x1;
	s6 =	simm.s32 $0x7100;
	s9 =	simm.s32 $0x1  }
0x6: {  	s10 =	simm.s32 $0x3;
	s13 =	simm.s32 $0x0;
	s4 =	smul.u32 $0x710, s1  }
0x7: {  	s12 =	simm.s32 $0x0;
	p0 =	slt.u32 s1, $0x2;
	[sflag:s5] =	ssyncpa.u1 $0x0  }
.Ltmp0:
0x8: {  	s6 =	simm.s32 @!p0 $0x0;
	s7 =	ssub.s32 $0x7810, s4;
	(pc) =	sbr.rel .LBB2_1-.Ltmp0, $4  }
0x9: {  	s9 =	simm.s32 @!p0 $0x0;
	p0 =	sne.s32 s7, s6;
	s7 =	simm.s32 $0x1  }
0xa: {  	s8 =	sadd.s32 $0x1E00, s8;
	s6 =	simm.s32 $0x2;
	s7 =	simm.s32 @!p0 $0x0  }
0xb: {  	s11 =	smov.u32 s4;
	[sflag:s6] =	ssyncpa.u1 $0x0;
	s7 =	sadd.s32 s9, s7  }
0xc: {  	vm0 =	vmmov $0xffff;
	[sflag:s10] =	ssyncpa.u1 $0x0;
	s10 =	simm.s32 $0x0;
	s9 =	sadd.s32 $0x1, s7  }
.LBB2_4:
0xd: {  	v2 =	vnsel vm1, $0x0, v2  }
0xe: {  	vm1 =	vgt.s32 v0, $0x0;
	v2 =	vmin.u32 v2, $0xF423F  }
0xf: {  	v0 =	vnsel vm1, $0x0, v0  }
0x10: {  	v0 =	vmin.u32 v0, $0xF423F  }
0x11: {  	[tilespmem:s18], [sflag:$0x1] =	stream.indirect_vreg.gather [hbm4b:s2+s10], $0x1, v1, vm0, $0x4038;
	[tilespmem:$0x1C40] =	vst v63  }
0x12: {  	(ifvalue) =	ssetifvalue $0x7FFFFFFF  }
0x13: {  	[tilespmem:s15], [sflag:$0x1] =	stream.indirect_vreg.gather [hbm4b:s2+s10], $0x1, v2, vm0, $0x4038;
	[tilespmem:$0x1C40] =	vst v63  }
0x14: {  	s29 =	sadd.s32 $0x10, s15;
	(ifvalue) =	ssetifvalue $0x7FFFFFFF  }
0x15: {  	[tilespmem:s29], [sflag:$0x1] =	stream.indirect_vreg.gather [hbm4b:s2+s10], $0x1, v0, vm0, $0x4038;
	[tilespmem:$0x1C40] =	vst v63  }
0x16: {  	_ =	swait.ge [sflag:s5], $0x710  }
0x17: {  	s30 =	sshrl.u32 s13, $0x3;
	[sflag:s5] =	ssyncset.done $0x0  }
0x18: {  	s31 =	sand.u32 $0x7, s13;
	s15 =	sadd.s32 s8, s30;
	[sflag:s5] =	ssyncadd.s32 $0xFFFFF8F0  }
0x19: {  	[hbm4b:s15+s31] =	stream.linear.scatter [tilespmem:s14], [sflag:$0x3], $0x710, $0x38;
	[tilespmem:$0x1C40] =	vst v63  }
.LBB2_5:
0x1a: {  	s15 =	sadd.s32 $0x7100, s11  }
0x1b: {  	p1 =	sgt.s32 s15, $0x780F  }
0x1c: {  	s15 =	smov.u32 @p1 s4;
	p1 =	sne.s32 s12, s9  }
.Ltmp1:
0x1d: {  	p0 =	slt.u32 s12, $0x2;
	(pc) =	sbr.rel @!p1 .LBB2_6-.Ltmp1, $4  }
0x1e: {  	s14 =	simm.s32 @!p0 $0x3  }
0x1f: {  	_ =	swait.ge @!p0 [sflag:s14], $0x710  }
0x20: {  	s16 =	sadd.s32 $0x1, s12;
	s13 =	smov.u32 s11;
	[sflag:s14] =	ssyncset.done @!p0 $0x0  }
0x21: {  	s12 =	smov.u32 s16;
	s11 =	smov.u32 s15;
	[sflag:s14] =	ssyncadd.s32 @!p0 $0xFFFFF8F0  }
.LBB2_1:
0x22: {  	p0 =	sge.u32 s12, s7  }
0x23: {  	s14 =	sxor.u32 @!p0 $0x1, s12  }
0x24: {  	s14 =	smul.u32 @!p0 $0x1C40, s14  }
0x25: {  	s31 =	sadd.s32 $0xFFFFFFFF, s12;
	s15 =	sshrl.u32 @!p0 s11, $0x3  }
0x26: {  	s16 =	sand.u32 @!p0 $0x7, s11;
	s15 =	sadd.s32 @!p0 s3, s15;
	s14 =	sshra.s32 @!p0 s14, $0x2  }
0x27: {  	[tilespmem:s14], [sflag:$0x2] =	stream.linear.gather @!p0 [hbm4b:s15+s16], $0x710, $0x38;
	[tilespmem:$0x1C40] =	vst v63  }
0x28: {  	p0 =	sge.u32 s31, s7  }
.Ltmp2:
0x29: {  	_ = 	snop;
	(pc) =	sbr.rel @p0 .LBB2_5-.Ltmp2, $1  }
0x2a: {  	_ =	sdelay $0x3  }
0x2b: {  	s14 =	sand.u32 $0x1, s12  }
0x2c: {  	_ =	swait.ge [sflag:s6], $0x710;
	p0 =	seq.s32 s14, $0x1;
	s14 =	simm.s32 $0x710  }
0x2d: {  	[sflag:s6] =	ssyncset.done $0x0;
	s14 =	simm.s32 @!p0 $0x0  }
0x2e: {  	[sflag:s6] =	ssyncadd.s32 $0xFFFFF8F0;
	(ifvalue) =	ssetifvalue $0x7FFFFFFF;
	v0 =	vld.msk [tilespmem:s14+$0x0 ss:$0x1], $0xffff;
	_ =	sdelay $0x4  }
0x2f: {  	s15 =	sadd.s32 $0x10, s14;
	vm1 =	vgt.s32 v0, $0x0  }
0x30: {  	v2 =	vld.msk [tilespmem:s15+$0x0 ss:$0x1], $0xffff;
	v1 =	vnsel vm1, $0x0, v0  }
0x31: {  	v1 =	vmin.u32 v1, $0xF423F;
	_ =	sdelay $0x2  }
0x32: {  	s17 =	simm.s32 $0x20;
	s14 =	sadd.s32 $0xE20, s14;
	s16 =	sadd.s32 $0x10, s15  }
0x33: {  	s15 =	sadd.s32 $0x10, s14;
	s18 =	smov.u32 s14;
	v0 =	vld.msk [tilespmem:s16+$0x0 ss:$0x1], $0xffff;
	vm1 =	vgt.s32 v2, $0x0;
	(ifvalue) =	ssetifvalue $0x7FFFFFFF  }
.LBB2_3:
0x34: {  	[tilespmem:s18], [sflag:$0x1] =	stream.indirect_vreg.gather [hbm4b:s2+s10], $0x1, v1, vm0, $0x4038;
	[tilespmem:$0x1C40] =	vst v63  }
0x35: {  	s17 =	sadd.s32 $0x10, s17  }
0x36: {  	v2 =	vnsel vm1, $0x0, v2;
	p0 =	slt.u32 s17, $0x700  }
.Ltmp3:
0x37: {  	s18 =	smov.u32 s15;
	v1 =	vmin.u32 v2, $0xF423F;
	(pc) =	sbr.rel @p0 .LBB2_3-.Ltmp3, $3  }
0x38: {  	_ =	sdelay $0x1  }
0x39: {  	s16 =	sadd.s32 $0x10, s16  }
0x3a: {  	vm1 =	vgt.s32 v0, $0x0;
	s15 =	sadd.s32 $0x10, s15;
	v2 =	vmov v0;
	(ifvalue) =	ssetifvalue $0x7FFFFFFF;
	v0 =	vld.msk [tilespmem:s16+$0x0 ss:$0x1], $0xffff  }
.Ltmp4:
0x3b: {  	_ = 	snop;
	(pc) =	sbr.rel .LBB2_4-.Ltmp4, $1  }
0x3c: {  	_ =	sdelay $0x3  }
.LBB2_6:
0x3d: {  	_ =	sfence.sel $0x180000  }
0x3e: {  	s2 =	simm.s32 $0x2;
	[bflag:$0x0] =	sbarrier.arrive $0xFFFF  }
0x3f: {  	s30 =	simm.s32 $0x3;
	[sflag:s2] =	ssyncpa.u1 $0x1  }
0x40: {  	s31 =	simm.s32 $0x1;
	[sflag:s30] =	ssyncpa.u1 $0x1  }
0x41: {  	[sflag:s31] =	ssyncpa.u1 $0x1  }
0x42: {  	p0 =	sne.s32 s1, $0x0;
	_ =	strace $0x90000050  }
0x43: {  	s0 =	sadd.s32 @!p0 $0x100000, s0;
	[bflag:$0x2] =	sbarrier.arrive $0xFFFF  }
0x44: {  	[sflag:s0] =	ssyncadd.tile.s32 @!p0 $0x1;
	_ =	shalt  }
.Lfunc_end2:
_tile_overlayer_lowered:
.L_overlay_start_2:
0x45: {  	(tag) =	ssettag $0x2  }
0x46: {  	s0 =	rddreg [dreg:$0x0];
	s2 =	stileid.u32  }
0x47: {  	s1 =	rddreg [dreg:$0x1];
	p0 =	sne.s32 s2, $0x0  }
0x48: {  	s3 =	rddreg [dreg:$0x2];
	[bflag:$0x3] =	sbarrier.arrive $0xFFFF;
	s2 =	simm.s32 @!p0 $0x1C01  }
0x49: {  	[timem:s3], [sflag:s2] =	dma.local @!p0 [hbm:s0], s1  }
0x4a: {  	s0 =	simm.s32 @!p0 $0x1  }
0x4b: {  	_ =	swait.ge @!p0 [sflag:s0], s1  }
0x4c: {  	s1 =	ssub.s32 @!p0 $0x0, s1;
	[sflag:s0] =	ssyncset.done @!p0 $0x0  }
0x4d: {  	[sflag:s0] =	ssyncadd.s32 @!p0 s1  }
0x4e: {  	[bflag:$0x3] =	sbarrier.arrive $0xFFFF  }
0x4f: {  	_ =	shalt  }

// kernel: kernel.6.cloned.1.call-start
scs
__scs_entry_jumppad:
0x0: {  	(pc) =	sbr.rel $0x88, $3  }
0x1: {  	(tag) =	ssettag $0x0;
	lr =	simm.s32 $0x1  }
0x2: {  	[smem:$0x3F9C] =	sst lr;
	_ =	strace $0xD0000000  }
0x3: {  	_ = 	snop  }
0x4: {  	_ = 	snop  }
0x5: {  	_ = 	snop  }
0x6: {  	_ = 	snop  }
0x7: {  	_ = 	snop  }
__scs_overlays_trampoline_lowered:
0x8: {  	[smem:$0x3FAB] =	sst s0  }
0x9: {  	[smem:$0x3FAC] =	sst s1  }
0xa: {  	[smem:$0x3FAD] =	sst s2  }
0xb: {  	[smem:$0x3FAE] =	sst s3  }
0xc: {  	[smem:$0x3FAF] =	sst s4  }
0xd: {  	[smem:$0x3FB0] =	sst s5  }
0xe: {  	[smem:$0x3FB1] =	sst s6  }
0xf: {  	[smem:$0x3FB2] =	sst s7  }
0x10: {  	[smem:$0x3FB3] =	sst s8  }
0x11: {  	[smem:$0x3FB4] =	sst s9;
	s0 =	simm.s32 @!p0 $0x0  }
0x12: {  	s1 =	sld [smem:$0x3F9A];
	s0 =	simm.s32 @p0 $0x1  }
0x13: {  	[smem:$0x3FB5] =	sst s0;
	s0 =	simm.s32 @!p1 $0x0  }
0x14: {  	s2 =	sld [smem:$0x3F99];
	s0 =	simm.s32 @p1 $0x1  }
0x15: {  	[smem:$0x3FB6] =	sst s0;
	s0 =	simm.s32 @!p2 $0x0  }
0x16: {  	s3 =	sld [smem:$0x3FDB];
	s0 =	simm.s32 @p2 $0x1  }
0x17: {  	s4 =	simm.s32 $0x1BF5;
	[smem:$0x3FB8] =	sst s0  }
0x18: {  	s0 =	sld [smem:$0x3F9B];
	_ =	swait.ge [sflag:s4], $0x0  }
0x19: {  	s7 =	sld [smem:$0x3F9C]  }
0x1a: {  	s8 =	sadd.s32 $0xFFFFE003, lr  }
0x1b: {  	s9 =	sadd.s32 $0xFFFFFEF7, lr;
	s5 =	simm.s32 $0xFFFFFFFF;
	p2 =	slt.u32 s8, $0xFFFFF086  }
0x1c: {  	p1 =	slt.u32 s9, $0xF7A;
	s5 =	simm.s32 @!p2 $0x0  }
0x1d: {  	s5 =	simm.s32 @p1 $0x1;
	p0 =	seq.s32 s7, s2  }
0x1e: {  	s7 =	smul.u32 @!p0 $0xF7A, s2;
	p2 =	seq.s32 @!p0 s5, $0x0  }
0x1f: {  	s9 =	smul.u32 $0xF7A, s1;
	s8 =	simm.s32 @!p0 $0x1BF5;
	p2 =	por !p2, p0  }
0x20: {  	[sflag:s8] =	ssyncset.s32 @!p0 $0xFFFFF086;
	s6 =	sadd.s32 @!p0 s3, s7;
	s7 =	simm.s32 @!p0 $0x108  }
0x21: {  	s3 =	sadd.s32 s3, s9;
	s6 =	sadd.s32 @!p0 $0x88, s6;
	s7 =	simm.s32 @p2 $0x1082  }
0x22: {  	[simem:s7], [sflag:s8] =	dma.local @!p0 [hbm:s6], $0xF7A  }
0x23: {  	s9 =	sor.u32 $0xD0000000, s2;
	s6 =	simm.s32 $0x108;
	_ =	swait.ge @!p0 [sflag:s8], $0x0  }
0x24: {  	s3 =	sadd.s32 $0x88, s3;
	s6 =	simm.s32 @!p1 $0x1082;
	[sflag:s4] =	ssyncset.s32 $0xFFFFF086  }
0x25: {  	[simem:s6], [sflag:s4] =	dma.local [hbm:s3], $0xF7A  }
0x26: {  	[smem:$0x3F9C] =	sst s1;
	(tag) =	ssettag s2;
	_ =	strace s9  }
0x27: {  	s1 =	sld [smem:$0x3FAC]  }
0x28: {  	s2 =	sld [smem:$0x3FAD]  }
0x29: {  	s4 =	sld [smem:$0x3FAF]  }
0x2a: {  	p0 =	seq.s32 s5, $0x0;
	s5 =	sld [smem:$0x3FB0]  }
0x2b: {  	s6 =	sld [smem:$0x3FB1]  }
0x2c: {  	s7 =	sld [smem:$0x3FB2]  }
0x2d: {  	s3 =	simm.s32 $0x108;
	s8 =	sld [smem:$0x3FB3]  }
0x2e: {  	s3 =	simm.s32 @!p0 $0x1082;
	s9 =	sld [smem:$0x3FB4]  }
0x2f: {  	lr =	sadd.s32 s0, s3;
	s0 =	sld [smem:$0x3FAB]  }
0x30: {  	s3 =	sld [smem:$0x3FAE]  }
0x31: {  	[smem:$0x3FB7] =	sst s10  }
0x32: {  	s10 =	sld [smem:$0x3FB5];
	_ =	sdelay $0x3  }
0x33: {  	p0 =	seq.s32 s10, $0x1;
	s10 =	sld [smem:$0x3FB7];
	_ =	sdelay $0x3  }
0x34: {  	[smem:$0x3FB7] =	sst s10  }
0x35: {  	s10 =	sld [smem:$0x3FB6];
	_ =	sdelay $0x3  }
0x36: {  	p1 =	seq.s32 s10, $0x1;
	s10 =	sld [smem:$0x3FB7];
	_ =	sdelay $0x3  }
0x37: {  	[smem:$0x3FB7] =	sst s10  }
0x38: {  	s10 =	sld [smem:$0x3FB8]  }
0x39: {  	_ = 	snop;
	(pc) =	sbr.ind lr, $3  }
0x3a: {  	_ = 	snop  }
0x3b: {  	_ = 	snop  }
0x3c: {  	p2 =	seq.s32 s10, $0x1;
	s10 =	sld [smem:$0x3FB7]  }
0x3d: {  	_ =	shalt  }
0x3e: {  	_ =	shalt  }
0x3f: {  	_ =	shalt  }
0x40: {  	_ =	shalt  }
0x41: {  	_ =	shalt  }
0x42: {  	_ =	shalt  }
0x43: {  	_ =	shalt  }
0x44: {  	_ =	shalt  }
0x45: {  	_ =	shalt  }
0x46: {  	_ =	shalt  }
0x47: {  	_ =	shalt  }
0x48: {  	_ =	shalt  }
0x49: {  	_ =	shalt  }
0x4a: {  	_ =	shalt  }
0x4b: {  	_ =	shalt  }
0x4c: {  	_ =	shalt  }
0x4d: {  	_ =	shalt  }
0x4e: {  	_ =	shalt  }
0x4f: {  	_ =	shalt  }
0x50: {  	_ =	shalt  }
0x51: {  	_ =	shalt  }
0x52: {  	_ =	shalt  }
0x53: {  	_ =	shalt  }
0x54: {  	_ =	shalt  }
0x55: {  	_ =	shalt  }
0x56: {  	_ =	shalt  }
0x57: {  	_ =	shalt  }
0x58: {  	_ =	shalt  }
0x59: {  	_ =	shalt  }
0x5a: {  	_ =	shalt  }
0x5b: {  	_ =	shalt  }
0x5c: {  	_ =	shalt  }
0x5d: {  	_ =	shalt  }
0x5e: {  	_ =	shalt  }
0x5f: {  	_ =	shalt  }
0x60: {  	_ =	shalt  }
0x61: {  	_ =	shalt  }
0x62: {  	_ =	shalt  }
0x63: {  	_ =	shalt  }
0x64: {  	_ =	shalt  }
0x65: {  	_ =	shalt  }
0x66: {  	_ =	shalt  }
0x67: {  	_ =	shalt  }
0x68: {  	_ =	shalt  }
0x69: {  	_ =	shalt  }
0x6a: {  	_ =	shalt  }
0x6b: {  	_ =	shalt  }
0x6c: {  	_ =	shalt  }
0x6d: {  	_ =	shalt  }
0x6e: {  	_ =	shalt  }
0x6f: {  	_ =	shalt  }
0x70: {  	_ =	shalt  }
0x71: {  	_ =	shalt  }
0x72: {  	_ =	shalt  }
0x73: {  	_ =	shalt  }
0x74: {  	_ =	shalt  }
0x75: {  	_ =	shalt  }
0x76: {  	_ =	shalt  }
0x77: {  	_ =	shalt  }
0x78: {  	_ =	shalt  }
0x79: {  	_ =	shalt  }
0x7a: {  	_ =	shalt  }
0x7b: {  	_ =	shalt  }
0x7c: {  	_ =	shalt  }
0x7d: {  	_ =	shalt  }
0x7e: {  	_ =	shalt  }
0x7f: {  	_ =	shalt  }
0x80: {  	_ =	shalt  }
0x81: {  	_ =	shalt  }
0x82: {  	_ =	shalt  }
0x83: {  	_ =	shalt  }
0x84: {  	_ =	shalt  }
0x85: {  	_ =	shalt  }
0x86: {  	_ =	shalt  }
0x87: {  	_ =	shalt  }
.Lfunc_end0:
.L_simem_size_0:
called_computation.2_lowered:
.L_overlay_start_0:
0x88: {  	s2 =	sld [smem:$0x3FD9]  }
0x89: {  	s3 =	sld [smem:$0x3FFE];
	_ =	sdelay $0x1  }
0x8a: {  	s1 =	srdreg.scid  }
0x8b: {  	s0 =	sand.u32 $0x1, s1  }
0x8c: {  	s17 =	sshll.u32 s0, $0xA;
	s2 =	sadd.s32 s3, s2  }
0x8d: {  	s2 =	sadd.s32 s2, s17  }
0x8e: {  	[smem:$0x3FC3] =	sst s2  }
0x8f: {  	_ = 	snop  }
0x90: {  	s2 =	sld [smem:$0x3FD0];
	(tm) =	ssettm $0x1  }
0x91: {  	s18 =	sld [smem:$0x3FFB];
	_ =	sdelay $0x3  }
0x92: {  	_ =	strace s18  }
0x93: {  	s3 =	sld [smem:$0x3FFC];
	_ =	sdelay $0x3  }
0x94: {  	_ =	strace s3  }
0x95: {  	s3 =	sld [smem:$0x3FFD];
	_ =	sdelay $0x3  }
0x96: {  	_ =	strace s3  }
0x97: {  	_ =	strace $0x8FFFFFFF  }
0x98: {  	s19 =	sld [smem:$0x3FDB];
	_ =	sdelay $0x1  }
0x99: {  	s4 =	simm.s32 $_scs_section_size  }
0x9a: {  	s5 =	simm.s32 $_size__tile_overlayer_lowered;
	s6 =	simm.s32 $_tile_overlayer_lowered  }
0x9b: {  	s22 =	simm.s32 $0x1BFF;
	s21 =	sshll.u32 s6, $0x1;
	s3 =	sadd.s32 s4, s19  }
0x9c: {  	s7 =	simm.s32 $0x0;
	s20 =	sshll.u32 s5, $0x1;
	s5 =	sadd.s32 s21, s3  }
0x9d: {  	[timem:s7], [sflag:s22] =	dma.local [hbm:s5], s20  }
0x9e: {  	_ =	swait.ge [sflag:s22], s20  }
0x9f: {  	s4 =	ssub.s32 $0x0, s20;
	[sflag:s22] =	ssyncset.done $0x0  }
0xa0: {  	[sflag:s22] =	ssyncadd.s32 s4;
	_ =	sdelay $0x1  }
0xa1: {  	s23 =	simm.s32 $0x1B8B  }
0xa2: {  	_ =	swait.ge [sflag:s23], $0x1  }
0xa3: {  	[sflag:s23] =	ssyncset.done $0x0  }
0xa4: {  	s25 =	simm.s32 $0x1B8E;
	s24 =	sld [smem:$0x3FFE];
	[sflag:s23] =	ssyncadd.s32 $0xFFFFFFFF  }
0xa5: {  	s26 =	simm.s32 $execute0_lowered;
	[smem:$0x3FD2] =	sst s25  }
0xa6: {  	s5 =	sshll.u32 s26, $0x1;
	_ =	strace $0x80000046;
	[dreg:$0x1] =	wrdreg $0xFFFFFFFF  }
0xa7: {  	s28 =	simm.s32 $_size_execute0_lowered;
	s3 =	sadd.s32 s3, s5;
	[dreg:$0x0] =	wrdreg $0x0  }
0xa8: {  	s5 =	sshll.u32 s28, $0x1;
	[dreg:$0x2] =	wrdreg s3  }
0xa9: {  	[dreg:$0x3] =	wrdreg s5  }
0xaa: {  	[dreg:$0x4] =	wrdreg $0xC0  }
0xab: {  	_ =	task [dreg:s7], $0x5FFFF  }
0xac: {  	[dreg:$0x1] =	wrdreg $0xFFFFFFFF  }
0xad: {  	[dreg:$0x0] =	wrdreg $0x60  }
0xae: {  	[dreg:$0x2] =	wrdreg s24  }
0xaf: {  	[dreg:$0x3] =	wrdreg s2  }
0xb0: {  	[dreg:$0x4] =	wrdreg $0x9  }
0xb1: {  	_ =	task.clear_ibuf [dreg:s7], $0x5FFFF;
	_ =	strace $0x90000046  }
0xb2: {  	s29 =	simm.s32 $0x9;
	_ =	strace $0x80000048  }
0xb3: {  	_ =	swait.ge [sflag:s29], $0x1  }
0xb4: {  	[sflag:s29] =	ssyncadd.s32 $0xFFFFFFFF  }
0xb5: {  	_ =	strace $0x90000048  }
0xb6: {  	_ =	sfence  }
0xb7: {  	s30 =	sld [smem:$0x0];
	_ =	sdelay $0x2  }
0xb8: {  	s31 =	sshll.u32 s1, $0xD;
	s1 =	sshrl.u32 s1, $0x2  }
0xb9: {  	s3 =	sand.u32 $0x4000, s31;
	s1 =	sadd.s32 s1, s30  }
0xba: {  	s0 =	sor.u32 s3, s0;
	s1 =	sshll.u32 s1, $0x11  }
0xbb: {  	s0 =	sor.u32 s1, s0  }
0xbc: {  	s0 =	sadd.s32 $0x8F2B, s0  }
0xbd: {  	[sflag:s0] =	ssyncadd.remote.s32 $0x1  }
0xbe: {  	_ =	sfence.sel $0xFFFF  }
0xbf: {  	[dreg:$0x0] =	wrdreg $0xFFFFFFFF;
	(pc) =	sbr.abs _section_cstart, $3  }
0xc0: {  	[dreg:$0x1] =	wrdreg $0xFFFFFFFF  }
0xc1: {  	_ =	task.clear_ibuf [dreg:s7], $0x2FFFF;
	_ =	strace $0x9FFFFFFF  }
0xc2: {  	(tm) =	ssettm $0x7FFFFFFF  }
0xc3: {  	_ =	shalt  }
tec
execute0_lowered:
.L_overlay_start_1:
0x0: {  	(tag) =	ssettag $0x1  }
0x1: {  	s5 =	rddreg [dreg:$0x0];
	s1 =	srdreg.scid  }
0x2: {  	s0 =	stileid.u32;
	s6 =	rddreg [dreg:$0x1]  }
0x3: {  	s2 =	simm.s32 $0x0;
	s9 =	simm.s32 $0x1;
	s10 =	simm.s32 $0x3D0  }
0x4: {  	s11 =	simm.s32 $0x0;
	s3 =	sand.u32 $0x1, s1;
	s4 =	sshll.u32 s0, $0x1  }
.Ltmp0:
0x5: {  	s1 =	rddreg [dreg:$0x2];
	s4 =	sor.u32 s3, s4;
	(pc) =	sbr.rel .LBB2_1-.Ltmp0, $4  }
0x6: {  	[smem:$0x7FF] =	sst s2;
	s7 =	ssub.s32 $0x2, s3;
	s3 =	smul.u32 $0x3C0, s4  }
0x7: {  	_ =	strace $0x80000047;
	s4 =	sadd.s32 $0x2E00, s5;
	s8 =	sshrl.u32 s7, $0x1  }
0x8: {  	s5 =	sadd.s32 $0x3D3800, s5;
	s7 =	ssub.s32 s7, s8;
	s31 =	sshrl.u32 s3, $0x3  }
0x9: {  	s8 =	simm.s32 $0x3;
	s7 =	smax.u32 s7, $0x1;
	s6 =	sadd.s32 s6, s31  }
.LBB2_12:
0xa: {  	s11 =	sadd.s32 $0x1, s11  }
0xb: {  	p0 =	sne.s32 s11, s7  }
.Ltmp1:
0xc: {  	_ = 	snop;
	(pc) =	sbr.rel @!p0 .LBB2_13-.Ltmp1, $1  }
0xd: {  	_ =	sdelay $0x3  }
.LBB2_1:
0xe: {  	[tilespmem:s2], [sflag:$0x3] =	stream.linear.gather [hbm4b:s6+s2], $0x3D0, $0x38;
	[tilespmem:$0x4BD0] =	vst v63  }
0xf: {  	_ =	swait.ge [sflag:s8], $0x3D0  }
0x10: {  	[sflag:s8] =	ssyncset.done $0x0  }
0x11: {  	[sflag:s8] =	ssyncadd.s32 $0xFFFFFC30  }
0x12: {  	v0 =	vld [tilespmem:$0x0];
	_ =	sdelay $0x4  }
0x13: {  	(v2sf) =	vpush v0, $0x0;
	_ =	sdelay $0xe  }
0x14: {  	s12 =	spop (v2sf)  }
0x15: {  	s13 =	sand.u32 $0x7, s12  }
0x16: {  	s30 =	sshra.s32 s12, $0x1F;
	p1 =	slt.s32 s12, $0x1;
	p0 =	sne.s32 s13, $0x0  }
0x17: {  	s13 =	sshrl.u32 s30, $0x1D;
	p0 =	por !p1, !p0  }
0x18: {  	s12 =	sadd.s32 s13, s12;
	s13 =	simm.s32 $0x1;
	p0 =	por !p0, !p0  }
0x19: {  	s12 =	sshrl.u32 s12, $0x3;
	s13 =	simm.s32 @!p0 $0x0  }
0x1a: {  	s12 =	ssub.s32 s12, s13  }
0x1b: {  	s16 =	sshll.u32 s12, $0x3  }
0x1c: {  	p0 =	slt.s32 s16, $0xF4040  }
0x1d: {  	s16 =	simm.s32 @!p0 $0xF4040  }
0x1e: {  	s31 =	sshll.u32 s16, $0x2  }
0x1f: {  	s12 =	sand.u32 $0x1FFFFFE0, s31  }
.Ltmp2:
0x20: {  	s12 =	sadd.s32 s4, s12;
	(pc) =	sbr.rel .LBB2_2-.Ltmp2, $4  }
0x21: {  	[tilespmem:s10], [sflag:$0x1] =	stream.linear.gather [hbm4b:s12+s2], $0x4000, $0x38;
	[tilespmem:$0x4BD0] =	vst v63  }
0x22: {  	_ =	swait.ge [sflag:s9], $0x4000  }
0x23: {  	[sflag:s9] =	ssyncset.done $0x0  }
0x24: {  	s12 =	simm.s32 $0x0;
	[sflag:s9] =	ssyncadd.s32 $0xFFFFC000  }
.LBB2_3:
0x25: {  	v1 =	vimm.f32 $0.0e+00  }
.LBB2_11:
0x26: {  	s13 =	sand.u32 $0x3F, s12  }
0x27: {  	p0 =	sne.s32 s13, $0x3F  }
0x28: {  	s14 =	sadd.s32 @!p0 s3, s12  }
0x29: {  	s14 =	sshll.u32 @!p0 s14, $0x2  }
0x2a: {  	s13 =	sshll.u32 s13, $0x5;
	s14 =	sadd.s32 @!p0 $0x1FFFFF04, s14  }
0x2b: {  	[tilespmem:s13+$0x43D0] =	vst v0;
	s15 =	simm.s32 @!p0 $0x43D0;
	s12 =	sadd.s32 $0x1, s12;
	s14 =	sand.u32 @!p0 $0x1FFFFF00, s14  }
0x2c: {  	[tilespmem:s13+$0x43E0] =	vst v1;
	p1 =	sne.s32 s12, $0x3C0;
	s13 =	sadd.s32 @!p0 s5, s14;
	s14 =	simm.s32 @!p0 $0x0  }
0x2d: {  	[hbm4b:s13+s14] =	stream.linear.scatter @!p0 [tilespmem:s15], [sflag:$0x2], $0x800, $0x38;
	[tilespmem:$0x4BD0] =	vst v63  }
.Ltmp3:
0x2e: {  	_ = 	snop;
	(pc) =	sbr.rel @!p1 .LBB2_12-.Ltmp3, $4  }
0x2f: {  	s13 =	simm.s32 @!p0 $0x2  }
0x30: {  	_ =	swait.ge @!p0 [sflag:s13], $0x800  }
0x31: {  	[sflag:s13] =	ssyncset.done @!p0 $0x0  }
0x32: {  	[sflag:s13] =	ssyncadd.s32 @!p0 $0xFFFFF800  }
.LBB2_2:
0x33: {  	v0 =	vld [tilespmem:s12+$0x0];
	_ =	sdelay $0x4  }
0x34: {  	(v2sf) =	vpush v0, $0x0  }
0x35: {  	(v2sf) =	vpush v0, $0x1;
	_ =	sdelay $0xd  }
0x36: {  	s15 =	spop (v2sf)  }
0x37: {  	s14 =	spop (v2sf)  }
0x38: {  	p0 =	sge.s32 s15, s14  }
.Ltmp4:
0x39: {  	_ = 	snop;
	(pc) =	sbr.rel @p0 .LBB2_3-.Ltmp4, $2  }
0x3a: {  	_ =	sdelay $0x2  }
0x3b: {  	v0 =	vimm.f32 $0.0e+00  }
0x3c: {  	s17 =	sand.u32 $0x7, s15  }
0x3d: {  	p0 =	slt.s32 s15, $0x1;
	s20 =	sadd.s32 $0x1, s15;
	p1 =	sne.s32 s17, $0x0  }
0x3e: {  	s18 =	sshra.s32 s15, $0x1F;
	p0 =	por !p0, !p1;
	p1 =	sne.s32 s14, s20  }
.Ltmp5:
0x3f: {  	s31 =	sshrl.u32 s18, $0x1D;
	(pc) =	sbr.rel @!p1 .LBB2_5-.Ltmp5, $4  }
0x40: {  	s18 =	simm.s32 $0x1;
	s17 =	sadd.s32 s31, s15;
	p0 =	por !p0, !p0  }
0x41: {  	s13 =	sshll.u32 s15, $0x7;
	s17 =	sshrl.u32 s17, $0x3;
	s18 =	simm.s32 @!p0 $0x0  }
0x42: {  	s19 =	sadd.s32 $0x200, s16;
	s13 =	sshra.s32 s13, $0x2;
	s17 =	ssub.s32 s17, s18  }
0x43: {  	v0 =	vimm.f32 $0.0e+00;
	s13 =	sadd.s32 $0x3D0, s13;
	p0 =	por $0x0, $0x0;
	s21 =	sshll.u32 s17, $0x3  }
0x44: {  	p1 =	slt.s32 s21, $0xF4040;
	p0 =	slt.s32 s15, s19;
	s15 =	sadd.s32 $0x1, s20  }
0x45: {  	p5 =	slt.s32 s20, $0x1;
	s29 =	sand.u32 $0x7, s20;
	s30 =	sshra.s32 s20, $0x1F  }
0x46: {  	s21 =	simm.s32 @!p1 $0xF4040;
	s19 =	simm.s32 @!p0 $0x3D0;
	p2 =	sne.s32 s29, $0x0  }
0x47: {  	s31 =	sshrl.u32 s30, $0x1D;
	s17 =	sshll.u32 @!p0 s21, $0x2;
	s18 =	smov.u32 s21  }
0x48: {  	p1 =	sne.s32 s14, s15;
	s18 =	smov.u32 @p0 s16;
	s17 =	sand.u32 @!p0 $0x1FFFFFE0, s17  }
0x49: {  	s16 =	simm.s32 @!p0 $0x0;
	s17 =	sadd.s32 @!p0 s4, s17;
	s28 =	sshll.u32 s18, $0x7  }
0x4a: {  	[tilespmem:s19], [sflag:$0x1] =	stream.linear.gather @!p0 [hbm4b:s17+s16], $0x4000, $0x38;
	[tilespmem:$0x4BD0] =	vst v63  }
0x4b: {  	s21 =	simm.s32 @!p0 $0x1;
	p6 =	por !p5, !p2;
	s16 =	ssub.s32 $0x0, s28  }
0x4c: {  	s17 =	sadd.s32 s31, s20;
	s19 =	simm.s32 $0x1;
	_ =	swait.ge @!p0 [sflag:s21], $0x4000  }
.Ltmp6:
0x4d: {  	s16 =	sshra.s32 s16, $0x2;
	[sflag:s21] =	ssyncset.done @!p0 $0x0;
	(pc) =	sbr.rel @!p1 .LBB2_7-.Ltmp6, $4  }
0x4e: {  	s16 =	sadd.s32 s16, s13;
	[sflag:s21] =	ssyncadd.s32 @!p0 $0xFFFFC000;
	p0 =	por !p6, !p6  }
0x4f: {  	s17 =	sshrl.u32 s17, $0x3;
	s19 =	simm.s32 @!p0 $0x0;
	v3 =	vld [tilespmem:s16+$0x0]  }
0x50: {  	v4 =	vld [tilespmem:s16+$0x10];
	p0 =	por $0x1, $0x1;
	s17 =	ssub.s32 s17, s19  }
0x51: {  	v1 =	vimm.f32 $0.0e+00;
	v2 =	vimm.f32 $0.0e+00;
	s19 =	sadd.s32 $0x200, s18;
	s21 =	sshll.u32 s17, $0x3;
	s17 =	smov.u32 s13  }
.LBB2_8:
0x52: {  	s16 =	smov.u32 s18;
	p3 =	slt.s32 s21, $0xF4040;
	s17 =	sadd.s32 $0x20, s17  }
0x53: {  	s22 =	smov.u32 s15;
	s15 =	sadd.s32 $0x1, s15;
	s21 =	simm.s32 @!p3 $0xF4040  }
0x54: {  	p2 =	slt.s32 s20, s19;
	p1 =	sne.s32 s14, s15;
	v1 =	vmax.f32 v1, v3;
	s18 =	smov.u32 s21  }
0x55: {  	s20 =	sshll.u32 @!p2 s21, $0x2;
	v2 =	vmax.f32 v2, v4;
	s18 =	smov.u32 @p2 s16;
	s16 =	simm.s32 @!p2 $0x0  }
0x56: {  	s21 =	simm.s32 @!p2 $0x3D0;
	s20 =	sand.u32 @!p2 $0x1FFFFFE0, s20;
	s19 =	sadd.s32 $0x200, s18  }
0x57: {  	s23 =	simm.s32 @!p2 $0x1;
	s20 =	sadd.s32 @!p2 s4, s20;
	s24 =	sshll.u32 s18, $0x7  }
0x58: {  	[tilespmem:s21], [sflag:$0x1] =	stream.linear.gather @!p2 [hbm4b:s20+s16], $0x4000, $0x38;
	[tilespmem:$0x4BD0] =	vst v63  }
0x59: {  	p3 =	slt.s32 s22, $0x1;
	s16 =	ssub.s32 $0x0, s24  }
0x5a: {  	s20 =	sshra.s32 s22, $0x1F;
	s21 =	sand.u32 $0x7, s22;
	_ =	swait.ge @!p2 [sflag:s23], $0x4000  }
0x5b: {  	p4 =	sne.s32 s21, $0x0;
	s16 =	sshra.s32 s16, $0x2;
	[sflag:s23] =	ssyncset.done @!p2 $0x0  }
0x5c: {  	s20 =	sshrl.u32 s20, $0x1D;
	s16 =	sadd.s32 s16, s17;
	[sflag:s23] =	ssyncadd.s32 @!p2 $0xFFFFC000  }
.Ltmp7:
0x5d: {  	s21 =	sadd.s32 s20, s22;
	p2 =	por !p3, !p4;
	(pc) =	sbr.rel @p1 .LBB2_8-.Ltmp7, $4  }
0x5e: {  	s20 =	smov.u32 s22;
	s22 =	simm.s32 $0x1;
	p2 =	por !p2, !p2;
	v3 =	vld [tilespmem:s16+$0x0]  }
0x5f: {  	s21 =	sshrl.u32 s21, $0x3;
	s22 =	simm.s32 @!p2 $0x0;
	v4 =	vld [tilespmem:s16+$0x10]  }
0x60: {  	s16 =	ssub.s32 s21, s22  }
0x61: {  	s21 =	sshll.u32 s16, $0x3  }
0x62: {  	s15 =	smov.u32 s20;
	s16 =	smov.u32 s18  }
.LBB2_10:
0x63: {  	p2 =	slt.s32 s21, $0xF4040  }
0x64: {  	p1 =	slt.s32 s15, s19;
	s21 =	simm.s32 @!p2 $0xF4040  }
0x65: {  	s15 =	simm.s32 @!p1 $0x0;
	s14 =	sshll.u32 @!p1 s21, $0x2  }
0x66: {  	s18 =	simm.s32 @!p1 $0x1;
	s21 =	smov.u32 @p1 s16;
	s14 =	sand.u32 @!p1 $0x1FFFFFE0, s14  }
0x67: {  	s16 =	simm.s32 @!p1 $0x3D0;
	s30 =	sshll.u32 s21, $0x7;
	s14 =	sadd.s32 @!p1 s4, s14  }
0x68: {  	[tilespmem:s16], [sflag:$0x1] =	stream.linear.gather @!p1 [hbm4b:s14+s15], $0x4000, $0x38;
	[tilespmem:$0x4BD0] =	vst v63  }
0x69: {  	s31 =	ssub.s32 $0x0, s30;
	s14 =	sadd.s32 @p0 $0x20, s17;
	_ =	swait.ge @!p1 [sflag:s18], $0x4000  }
0x6a: {  	s15 =	sshra.s32 s31, $0x2;
	s13 =	smov.u32 @p0 s14;
	[sflag:s18] =	ssyncset.done @!p1 $0x0  }
0x6b: {  	s13 =	sadd.s32 s15, s13;
	[sflag:s18] =	ssyncadd.s32 @!p1 $0xFFFFC000  }
0x6c: {  	v5 =	vld [tilespmem:s13+$0x0]  }
0x6d: {  	v6 =	vld [tilespmem:s13+$0x10]  }
.Ltmp8:
0x6e: {  	_ = 	snop;
	(pc) =	sbr.rel .LBB2_11-.Ltmp8, $4  }
0x6f: {  	_ = 	snop  }
0x70: {  	v1 =	vmax.f32 @p0 v1, v3;
	v2 =	vmax.f32 @p0 v2, v4  }
0x71: {  	v1 =	vpsel p0, v1, v0;
	v2 =	vpsel p0, v2, v0  }
0x72: {  	s16 =	smov.u32 s21;
	v0 =	vmax.f32 v1, v5;
	v1 =	vmax.f32 v2, v6  }
.LBB2_5:
.Ltmp9:
0x73: {  	(pc) =	sbr.rel .LBB2_10-.Ltmp9, $2  }
0x74: {  	_ =	sdelay $0x2  }
0x75: {  	s17 =	smov.u32 s13;
	v1 =	vimm.f32 $0.0e+00;
	v2 =	vimm.f32 $0.0e+00  }
.LBB2_7:
.Ltmp10:
0x76: {  	(pc) =	sbr.rel .LBB2_10-.Ltmp10, $2  }
0x77: {  	_ =	sdelay $0x2  }
0x78: {  	s17 =	smov.u32 s13;
	s15 =	smov.u32 s20;
	v1 =	vimm.f32 $0.0e+00;
	s16 =	smov.u32 s18;
	v2 =	vimm.f32 $0.0e+00  }
.LBB2_13:
0x79: {  	_ =	sfence.sel $0x180000  }
0x7a: {  	[bflag:$0x0] =	sbarrier.arrive $0xFFFF  }
0x7b: {  	p0 =	sne.s32 s0, $0x0;
	_ =	strace $0x90000047  }
0x7c: {  	s0 =	sadd.s32 @!p0 $0x100000, s1;
	[bflag:$0x2] =	sbarrier.arrive $0xFFFF  }
0x7d: {  	[sflag:s0] =	ssyncadd.tile.s32 @!p0 $0x1;
	_ =	shalt  }
.Lfunc_end2:
_tile_overlayer_lowered:
.L_overlay_start_2:
0x7e: {  	(tag) =	ssettag $0x2  }
0x7f: {  	s0 =	rddreg [dreg:$0x0];
	s2 =	stileid.u32  }
0x80: {  	s1 =	rddreg [dreg:$0x1];
	p0 =	sne.s32 s2, $0x0  }
0x81: {  	s3 =	rddreg [dreg:$0x2];
	[bflag:$0x3] =	sbarrier.arrive $0xFFFF;
	s2 =	simm.s32 @!p0 $0x1C03  }
0x82: {  	[timem:s3], [sflag:s2] =	dma.local @!p0 [hbm:s0], s1  }
0x83: {  	s0 =	simm.s32 @!p0 $0x3  }
0x84: {  	_ =	swait.ge @!p0 [sflag:s0], s1  }
0x85: {  	s1 =	ssub.s32 @!p0 $0x0, s1;
	[sflag:s0] =	ssyncset.done @!p0 $0x0  }
0x86: {  	[sflag:s0] =	ssyncadd.s32 @!p0 s1  }
0x87: {  	[bflag:$0x3] =	sbarrier.arrive $0xFFFF  }
0x88: {  	_ =	shalt  }

// kernel: kernel.9.cloned.1.call-start
scs
__scs_entry_jumppad:
0x0: {  	(pc) =	sbr.rel $0x88, $3  }
0x1: {  	(tag) =	ssettag $0x0;
	lr =	simm.s32 $0x1  }
0x2: {  	[smem:$0x3F9C] =	sst lr;
	_ =	strace $0xD0000000  }
0x3: {  	_ = 	snop  }
0x4: {  	_ = 	snop  }
0x5: {  	_ = 	snop  }
0x6: {  	_ = 	snop  }
0x7: {  	_ = 	snop  }
__scs_overlays_trampoline_lowered:
0x8: {  	[smem:$0x3FAB] =	sst s0  }
0x9: {  	[smem:$0x3FAC] =	sst s1  }
0xa: {  	[smem:$0x3FAD] =	sst s2  }
0xb: {  	[smem:$0x3FAE] =	sst s3  }
0xc: {  	[smem:$0x3FAF] =	sst s4  }
0xd: {  	[smem:$0x3FB0] =	sst s5  }
0xe: {  	[smem:$0x3FB1] =	sst s6  }
0xf: {  	[smem:$0x3FB2] =	sst s7  }
0x10: {  	[smem:$0x3FB3] =	sst s8  }
0x11: {  	[smem:$0x3FB4] =	sst s9;
	s0 =	simm.s32 @!p0 $0x0  }
0x12: {  	s1 =	sld [smem:$0x3F9A];
	s0 =	simm.s32 @p0 $0x1  }
0x13: {  	[smem:$0x3FB5] =	sst s0;
	s0 =	simm.s32 @!p1 $0x0  }
0x14: {  	s2 =	sld [smem:$0x3F99];
	s0 =	simm.s32 @p1 $0x1  }
0x15: {  	[smem:$0x3FB6] =	sst s0;
	s0 =	simm.s32 @!p2 $0x0  }
0x16: {  	s3 =	sld [smem:$0x3FDB];
	s0 =	simm.s32 @p2 $0x1  }
0x17: {  	s4 =	simm.s32 $0x1BF5;
	[smem:$0x3FB8] =	sst s0  }
0x18: {  	s0 =	sld [smem:$0x3F9B];
	_ =	swait.ge [sflag:s4], $0x0  }
0x19: {  	s7 =	sld [smem:$0x3F9C]  }
0x1a: {  	s8 =	sadd.s32 $0xFFFFE003, lr  }
0x1b: {  	s9 =	sadd.s32 $0xFFFFFEF7, lr;
	s5 =	simm.s32 $0xFFFFFFFF;
	p2 =	slt.u32 s8, $0xFFFFF086  }
0x1c: {  	p1 =	slt.u32 s9, $0xF7A;
	s5 =	simm.s32 @!p2 $0x0  }
0x1d: {  	s5 =	simm.s32 @p1 $0x1;
	p0 =	seq.s32 s7, s2  }
0x1e: {  	s7 =	smul.u32 @!p0 $0xF7A, s2;
	p2 =	seq.s32 @!p0 s5, $0x0  }
0x1f: {  	s9 =	smul.u32 $0xF7A, s1;
	s8 =	simm.s32 @!p0 $0x1BF5;
	p2 =	por !p2, p0  }
0x20: {  	[sflag:s8] =	ssyncset.s32 @!p0 $0xFFFFF086;
	s6 =	sadd.s32 @!p0 s3, s7;
	s7 =	simm.s32 @!p0 $0x108  }
0x21: {  	s3 =	sadd.s32 s3, s9;
	s6 =	sadd.s32 @!p0 $0x88, s6;
	s7 =	simm.s32 @p2 $0x1082  }
0x22: {  	[simem:s7], [sflag:s8] =	dma.local @!p0 [hbm:s6], $0xF7A  }
0x23: {  	s9 =	sor.u32 $0xD0000000, s2;
	s6 =	simm.s32 $0x108;
	_ =	swait.ge @!p0 [sflag:s8], $0x0  }
0x24: {  	s3 =	sadd.s32 $0x88, s3;
	s6 =	simm.s32 @!p1 $0x1082;
	[sflag:s4] =	ssyncset.s32 $0xFFFFF086  }
0x25: {  	[simem:s6], [sflag:s4] =	dma.local [hbm:s3], $0xF7A  }
0x26: {  	[smem:$0x3F9C] =	sst s1;
	(tag) =	ssettag s2;
	_ =	strace s9  }
0x27: {  	s1 =	sld [smem:$0x3FAC]  }
0x28: {  	s2 =	sld [smem:$0x3FAD]  }
0x29: {  	s4 =	sld [smem:$0x3FAF]  }
0x2a: {  	p0 =	seq.s32 s5, $0x0;
	s5 =	sld [smem:$0x3FB0]  }
0x2b: {  	s6 =	sld [smem:$0x3FB1]  }
0x2c: {  	s7 =	sld [smem:$0x3FB2]  }
0x2d: {  	s3 =	simm.s32 $0x108;
	s8 =	sld [smem:$0x3FB3]  }
0x2e: {  	s3 =	simm.s32 @!p0 $0x1082;
	s9 =	sld [smem:$0x3FB4]  }
0x2f: {  	lr =	sadd.s32 s0, s3;
	s0 =	sld [smem:$0x3FAB]  }
0x30: {  	s3 =	sld [smem:$0x3FAE]  }
0x31: {  	[smem:$0x3FB7] =	sst s10  }
0x32: {  	s10 =	sld [smem:$0x3FB5];
	_ =	sdelay $0x3  }
0x33: {  	p0 =	seq.s32 s10, $0x1;
	s10 =	sld [smem:$0x3FB7];
	_ =	sdelay $0x3  }
0x34: {  	[smem:$0x3FB7] =	sst s10  }
0x35: {  	s10 =	sld [smem:$0x3FB6];
	_ =	sdelay $0x3  }
0x36: {  	p1 =	seq.s32 s10, $0x1;
	s10 =	sld [smem:$0x3FB7];
	_ =	sdelay $0x3  }
0x37: {  	[smem:$0x3FB7] =	sst s10  }
0x38: {  	s10 =	sld [smem:$0x3FB8]  }
0x39: {  	_ = 	snop;
	(pc) =	sbr.ind lr, $3  }
0x3a: {  	_ = 	snop  }
0x3b: {  	_ = 	snop  }
0x3c: {  	p2 =	seq.s32 s10, $0x1;
	s10 =	sld [smem:$0x3FB7]  }
0x3d: {  	_ =	shalt  }
0x3e: {  	_ =	shalt  }
0x3f: {  	_ =	shalt  }
0x40: {  	_ =	shalt  }
0x41: {  	_ =	shalt  }
0x42: {  	_ =	shalt  }
0x43: {  	_ =	shalt  }
0x44: {  	_ =	shalt  }
0x45: {  	_ =	shalt  }
0x46: {  	_ =	shalt  }
0x47: {  	_ =	shalt  }
0x48: {  	_ =	shalt  }
0x49: {  	_ =	shalt  }
0x4a: {  	_ =	shalt  }
0x4b: {  	_ =	shalt  }
0x4c: {  	_ =	shalt  }
0x4d: {  	_ =	shalt  }
0x4e: {  	_ =	shalt  }
0x4f: {  	_ =	shalt  }
0x50: {  	_ =	shalt  }
0x51: {  	_ =	shalt  }
0x52: {  	_ =	shalt  }
0x53: {  	_ =	shalt  }
0x54: {  	_ =	shalt  }
0x55: {  	_ =	shalt  }
0x56: {  	_ =	shalt  }
0x57: {  	_ =	shalt  }
0x58: {  	_ =	shalt  }
0x59: {  	_ =	shalt  }
0x5a: {  	_ =	shalt  }
0x5b: {  	_ =	shalt  }
0x5c: {  	_ =	shalt  }
0x5d: {  	_ =	shalt  }
0x5e: {  	_ =	shalt  }
0x5f: {  	_ =	shalt  }
0x60: {  	_ =	shalt  }
0x61: {  	_ =	shalt  }
0x62: {  	_ =	shalt  }
0x63: {  	_ =	shalt  }
0x64: {  	_ =	shalt  }
0x65: {  	_ =	shalt  }
0x66: {  	_ =	shalt  }
0x67: {  	_ =	shalt  }
0x68: {  	_ =	shalt  }
0x69: {  	_ =	shalt  }
0x6a: {  	_ =	shalt  }
0x6b: {  	_ =	shalt  }
0x6c: {  	_ =	shalt  }
0x6d: {  	_ =	shalt  }
0x6e: {  	_ =	shalt  }
0x6f: {  	_ =	shalt  }
0x70: {  	_ =	shalt  }
0x71: {  	_ =	shalt  }
0x72: {  	_ =	shalt  }
0x73: {  	_ =	shalt  }
0x74: {  	_ =	shalt  }
0x75: {  	_ =	shalt  }
0x76: {  	_ =	shalt  }
0x77: {  	_ =	shalt  }
0x78: {  	_ =	shalt  }
0x79: {  	_ =	shalt  }
0x7a: {  	_ =	shalt  }
0x7b: {  	_ =	shalt  }
0x7c: {  	_ =	shalt  }
0x7d: {  	_ =	shalt  }
0x7e: {  	_ =	shalt  }
0x7f: {  	_ =	shalt  }
0x80: {  	_ =	shalt  }
0x81: {  	_ =	shalt  }
0x82: {  	_ =	shalt  }
0x83: {  	_ =	shalt  }
0x84: {  	_ =	shalt  }
0x85: {  	_ =	shalt  }
0x86: {  	_ =	shalt  }
0x87: {  	_ =	shalt  }
.Lfunc_end0:
.L_simem_size_0:
called_computation.3_lowered:
.L_overlay_start_0:
0x88: {  	s2 =	sld [smem:$0x3FD9]  }
0x89: {  	s3 =	sld [smem:$0x3FFE];
	_ =	sdelay $0x1  }
0x8a: {  	s1 =	srdreg.scid  }
0x8b: {  	s0 =	sand.u32 $0x1, s1  }
0x8c: {  	s17 =	sshll.u32 s0, $0xA;
	s2 =	sadd.s32 s3, s2  }
0x8d: {  	s2 =	sadd.s32 s2, s17  }
0x8e: {  	[smem:$0x3FC3] =	sst s2  }
0x8f: {  	_ = 	snop  }
0x90: {  	s2 =	sld [smem:$0x3FC8]  }
0x91: {  	s18 =	sld [smem:$0x3FD0];
	(tm) =	ssettm $0x1  }
0x92: {  	s4 =	sld [smem:$0x3FFB];
	_ =	sdelay $0x3  }
0x93: {  	_ =	strace s4  }
0x94: {  	s4 =	sld [smem:$0x3FFC];
	_ =	sdelay $0x3  }
0x95: {  	_ =	strace s4  }
0x96: {  	s4 =	sld [smem:$0x3FFD];
	_ =	sdelay $0x3  }
0x97: {  	_ =	strace s4  }
0x98: {  	_ =	strace $0x8FFFFFFF  }
0x99: {  	s19 =	sld [smem:$0x3FDB];
	_ =	sdelay $0x1  }
0x9a: {  	s5 =	simm.s32 $_scs_section_size  }
0x9b: {  	s6 =	simm.s32 $_size__tile_overlayer_lowered;
	s7 =	simm.s32 $_tile_overlayer_lowered  }
0x9c: {  	s22 =	simm.s32 $0x1BFF;
	s21 =	sshll.u32 s7, $0x1;
	s4 =	sadd.s32 s5, s19  }
0x9d: {  	s8 =	simm.s32 $0x0;
	s20 =	sshll.u32 s6, $0x1;
	s6 =	sadd.s32 s21, s4  }
0x9e: {  	[timem:s8], [sflag:s22] =	dma.local [hbm:s6], s20  }
0x9f: {  	_ =	swait.ge [sflag:s22], s20  }
0xa0: {  	s5 =	ssub.s32 $0x0, s20;
	[sflag:s22] =	ssyncset.done $0x0  }
0xa1: {  	[sflag:s22] =	ssyncadd.s32 s5;
	_ =	sdelay $0x1  }
0xa2: {  	s23 =	simm.s32 $0x1B8B  }
0xa3: {  	_ =	swait.ge [sflag:s23], $0x1  }
0xa4: {  	[sflag:s23] =	ssyncset.done $0x0  }
0xa5: {  	s25 =	simm.s32 $0x1B8E;
	s24 =	sld [smem:$0x3FFE];
	[sflag:s23] =	ssyncadd.s32 $0xFFFFFFFF  }
0xa6: {  	s26 =	simm.s32 $execute0_lowered;
	[smem:$0x3FD2] =	sst s25  }
0xa7: {  	s6 =	sshll.u32 s26, $0x1;
	_ =	strace $0x80000049;
	[dreg:$0x1] =	wrdreg $0xFFFFFFFF  }
0xa8: {  	s28 =	simm.s32 $_size_execute0_lowered;
	s4 =	sadd.s32 s4, s6;
	[dreg:$0x0] =	wrdreg $0x0  }
0xa9: {  	s6 =	sshll.u32 s28, $0x1;
	[dreg:$0x2] =	wrdreg s4  }
0xaa: {  	[dreg:$0x3] =	wrdreg s6  }
0xab: {  	[dreg:$0x4] =	wrdreg $0xC0  }
0xac: {  	_ =	task [dreg:s8], $0x5FFFF  }
0xad: {  	[dreg:$0x1] =	wrdreg $0xFFFFFFFF  }
0xae: {  	[dreg:$0x0] =	wrdreg $0x60  }
0xaf: {  	[dreg:$0x2] =	wrdreg s24  }
0xb0: {  	[dreg:$0x3] =	wrdreg s2  }
0xb1: {  	[dreg:$0x4] =	wrdreg s18  }
0xb2: {  	[dreg:$0x5] =	wrdreg $0x9  }
0xb3: {  	_ =	task.clear_ibuf [dreg:s8], $0x6FFFF;
	_ =	strace $0x90000049  }
0xb4: {  	s29 =	simm.s32 $0x9;
	_ =	strace $0x8000004B  }
0xb5: {  	_ =	swait.ge [sflag:s29], $0x1  }
0xb6: {  	[sflag:s29] =	ssyncadd.s32 $0xFFFFFFFF  }
0xb7: {  	_ =	strace $0x9000004B  }
0xb8: {  	_ =	sfence  }
0xb9: {  	s30 =	sld [smem:$0x0];
	_ =	sdelay $0x2  }
0xba: {  	s31 =	sshll.u32 s1, $0xD;
	s1 =	sshrl.u32 s1, $0x2  }
0xbb: {  	s3 =	sand.u32 $0x4000, s31;
	s1 =	sadd.s32 s1, s30  }
0xbc: {  	s0 =	sor.u32 s3, s0;
	s1 =	sshll.u32 s1, $0x11  }
0xbd: {  	s0 =	sor.u32 s1, s0  }
0xbe: {  	s0 =	sadd.s32 $0x8F2B, s0  }
0xbf: {  	[sflag:s0] =	ssyncadd.remote.s32 $0x1  }
0xc0: {  	_ =	sfence.sel $0xFFFF  }
0xc1: {  	[dreg:$0x0] =	wrdreg $0xFFFFFFFF;
	(pc) =	sbr.abs _section_cstart, $3  }
0xc2: {  	[dreg:$0x1] =	wrdreg $0xFFFFFFFF  }
0xc3: {  	_ =	task.clear_ibuf [dreg:s8], $0x2FFFF;
	_ =	strace $0x9FFFFFFF  }
0xc4: {  	(tm) =	ssettm $0x7FFFFFFF  }
0xc5: {  	_ =	shalt  }
tec
execute0_lowered:
.L_overlay_start_1:
0x0: {  	(tag) =	ssettag $0x1  }
0x1: {  	s5 =	rddreg [dreg:$0x0]  }
0x2: {  	s9 =	rddreg [dreg:$0x1]  }
0x3: {  	s10 =	rddreg [dreg:$0x2]  }
0x4: {  	s0 =	rddreg [dreg:$0x3];
	s2 =	simm.s32 $0x0;
	s1 =	stileid.u32  }
0x5: {  	s3 =	srdreg.scid;
	s16 =	simm.s32 $0x2;
	s17 =	simm.s32 $0x3D0  }
0x6: {  	s18 =	simm.s32 $0x20;
	s19 =	simm.s32 $0x40;
	s4 =	smul.u32 $0x3D000, s1  }
0x7: {  	s20 =	simm.s32 $0x3;
	[smem:$0x7FF] =	sst s2;
	s13 =	smul.u32 $0xF400, s1  }
0x8: {  	s11 =	sand.u32 $0x1, s3;
	s3 =	sadd.s32 $0x3D3800, s5;
	s29 =	smul.u32 $0x7A000, s1  }
0x9: {  	s28 =	sshll.u32 s1, $0x1;
	s7 =	sadd.s32 $0x7A0004, s10;
	s14 =	smul.u32 $0x7A00, s11  }
0xa: {  	s31 =	sshll.u32 s1, $0x6;
	_ =	strace $0x8000004A;
	s15 =	smul.u32 $0x1E800, s11  }
0xb: {  	s6 =	ssub.s32 $0x2, s11;
	s21 =	sor.u32 s11, s28;
	s11 =	smul.u32 $0x3D000, s11  }
0xc: {  	s12 =	sadd.s32 s4, s5;
	s26 =	sshrl.u32 s6, $0x1;
	s4 =	sadd.s32 $0x7A0000, s10  }
0xd: {  	s5 =	sadd.s32 $0x3D2E00, s5;
	s30 =	sadd.s32 s29, s10;
	p0 =	sne.s32 s21, $0x0  }
0xe: {  	s21 =	simm.s32 $0x0;
	s8 =	ssub.s32 s6, s26;
	s6 =	sadd.s32 $0x1E800, s9  }
0xf: {  	s13 =	sadd.s32 s14, s13;
	s12 =	sadd.s32 s15, s12;
	s11 =	sadd.s32 s11, s30  }
0x10: {  	s14 =	simm.s32 $0x8;
	s15 =	simm.s32 $0x4;
	s8 =	smax.u32 s8, $0x1  }
0x11: {  	s13 =	sshrl.u32 s13, $0x3;
	s10 =	sadd.s32 $0x2E00, s12;
	s11 =	sadd.s32 $0x4, s11  }
0x12: {  	s12 =	sor.u32 $0x1C03, s31;
	s9 =	sadd.s32 s13, s9;
	s13 =	simm.s32 $0x1  }
.LBB2_1:
0x13: {  	s22 =	sadd.s32 $0xFFFFFFFC, s11;
	s23 =	sadd.s32 $0x0, s9  }
0x14: {  	[hbm:s22@s14], [sflag:s12] =	dma.strided [hbm:s10@s15], $0xF40, s13, $0x4   }
0x15: {  	[tilespmem:s2], [sflag:$0x2] =	stream.linear.gather [hbm4b:s23+s2], $0x3D0, $0x38;
	[tilespmem:$0x7DD0] =	vst v63  }
0x16: {  	_ =	swait.ge [sflag:s16], $0x3D0  }
0x17: {  	[sflag:s16] =	ssyncset.done $0x0  }
0x18: {  	[sflag:s16] =	ssyncadd.s32 $0xFFFFFC30  }
0x19: {  	[tilespmem:s17], [sflag:$0x1] =	stream.indirect.gather [hbm4b:s3+s17], $0x20, s2, s17, $0xb8;
	[tilespmem:$0x7DD0] =	vst v63  }
0x1a: {  	_ =	swait.ge [sflag:s13], $0x7A00  }
0x1b: {  	[sflag:s13] =	ssyncset.done $0x0  }
0x1c: {  	[sflag:s13] =	ssyncadd.s32 $0xFFFF8600  }
0x1d: {  	[hbm4b:s11+s18] =	stream.strided.scatter [tilespmem:s17], [sflag:$0x2], $0x7A00, s19, s18, $0x38;
	[tilespmem:$0x7DD0] =	vst v63  }
0x1e: {  	_ =	swait.ge [sflag:s16], $0x7A00  }
0x1f: {  	[sflag:s16] =	ssyncset.done $0x0  }
0x20: {  	[sflag:s16] =	ssyncadd.s32 $0xFFFF8600  }
0x21: {  	s25 =	simm.s32 $0xF4;
	s24 =	sadd.s32 $0xF40, s10;
	_ =	swait.ge [sflag:s20], $0xF40  }
0x22: {  	s22 =	sadd.s32 $0x1E80, s11;
	s23 =	simm.s32 $0x7A;
	[sflag:s20] =	ssyncset.done $0x0  }
.LBB2_2:
0x23: {  	s26 =	sadd.s32 $0xFFFFFFFC, s22  }
0x24: {  	s28 =	sadd.s32 s23, s9;
	[sflag:s20] =	ssyncadd.s32 $0xFFFFF0C0;
	s23 =	smov.u32 s25  }
0x25: {  	[hbm:s26@s14], [sflag:s12] =	dma.strided [hbm:s24@s15], $0xF40, s13, $0x4   }
0x26: {  	[tilespmem:s2], [sflag:$0x2] =	stream.linear.gather [hbm4b:s28+s2], $0x3D0, $0x38;
	[tilespmem:$0x7DD0] =	vst v63  }
0x27: {  	p1 =	sne.s32 s25, $0xEC6;
	s25 =	sadd.s32 $0x7A, s25;
	_ =	swait.ge [sflag:s16], $0x3D0  }
0x28: {  	[sflag:s16] =	ssyncset.done $0x0  }
0x29: {  	[sflag:s16] =	ssyncadd.s32 $0xFFFFFC30  }
0x2a: {  	[tilespmem:s17], [sflag:$0x1] =	stream.indirect.gather [hbm4b:s3+s17], $0x20, s2, s17, $0xb8;
	[tilespmem:$0x7DD0] =	vst v63  }
0x2b: {  	_ =	swait.ge [sflag:s13], $0x7A00  }
0x2c: {  	[sflag:s13] =	ssyncset.done $0x0  }
0x2d: {  	[sflag:s13] =	ssyncadd.s32 $0xFFFF8600  }
0x2e: {  	[hbm4b:s22+s18] =	stream.strided.scatter [tilespmem:s17], [sflag:$0x2], $0x7A00, s19, s18, $0x38;
	[tilespmem:$0x7DD0] =	vst v63  }
.Ltmp0:
0x2f: {  	_ =	swait.ge [sflag:s16], $0x7A00;
	(pc) =	sbr.rel @p1 .LBB2_2-.Ltmp0, $4  }
0x30: {  	[sflag:s16] =	ssyncset.done $0x0  }
0x31: {  	[sflag:s16] =	ssyncadd.s32 $0xFFFF8600  }
0x32: {  	_ =	swait.ge [sflag:s20], $0xF40  }
0x33: {  	s24 =	sadd.s32 $0xF40, s24;
	s22 =	sadd.s32 $0x1E80, s22;
	[sflag:s20] =	ssyncset.done $0x0  }
0x34: {  	s25 =	sadd.s32 $0xFFFFFFFC, s22;
	s23 =	sadd.s32 s23, s9;
	[sflag:s20] =	ssyncadd.s32 $0xFFFFF0C0  }
0x35: {  	[hbm:s25@s14], [sflag:s12] =	dma.strided [hbm:s24@s15], $0xF40, s13, $0x4   }
0x36: {  	[tilespmem:s2], [sflag:$0x2] =	stream.linear.gather [hbm4b:s23+s2], $0x3D0, $0x38;
	[tilespmem:$0x7DD0] =	vst v63  }
0x37: {  	_ =	swait.ge [sflag:s16], $0x3D0  }
0x38: {  	[sflag:s16] =	ssyncset.done $0x0  }
0x39: {  	[sflag:s16] =	ssyncadd.s32 $0xFFFFFC30  }
0x3a: {  	[tilespmem:s17], [sflag:$0x1] =	stream.indirect.gather [hbm4b:s3+s17], $0x20, s2, s17, $0xb8;
	[tilespmem:$0x7DD0] =	vst v63  }
0x3b: {  	_ =	swait.ge [sflag:s13], $0x7A00  }
0x3c: {  	[sflag:s13] =	ssyncset.done $0x0  }
0x3d: {  	[sflag:s13] =	ssyncadd.s32 $0xFFFF8600  }
0x3e: {  	[hbm4b:s22+s18] =	stream.strided.scatter [tilespmem:s17], [sflag:$0x2], $0x7A00, s19, s18, $0x38;
	[tilespmem:$0x7DD0] =	vst v63  }
0x3f: {  	_ =	swait.ge [sflag:s16], $0x7A00  }
0x40: {  	[sflag:s16] =	ssyncset.done $0x0  }
0x41: {  	[sflag:s16] =	ssyncadd.s32 $0xFFFF8600  }
0x42: {  	_ =	swait.ge [sflag:s20], $0xF40  }
0x43: {  	s24 =	simm.s32 @!p0 $0x4;
	[sflag:s20] =	ssyncset.done $0x0  }
0x44: {  	s23 =	simm.s32 @!p0 $0x8;
	s22 =	simm.s32 @!p0 $0x1;
	[sflag:s20] =	ssyncadd.s32 $0xFFFFF0C0  }
0x45: {  	[hbm:s4@s23], [sflag:s12] =	dma.strided @!p0 [hbm:s5@s24], $0x900, s22, $0x4   }
0x46: {  	s23 =	simm.s32 @!p0 $0x0;
	s24 =	simm.s32 @!p0 $0x2  }
0x47: {  	[tilespmem:s23], [sflag:$0x2] =	stream.linear.gather @!p0 [hbm4b:s6+s23], $0x240, $0x38;
	[tilespmem:$0x7DD0] =	vst v63  }
0x48: {  	_ =	swait.ge @!p0 [sflag:s24], $0x240  }
0x49: {  	[sflag:s24] =	ssyncset.done @!p0 $0x0  }
0x4a: {  	s26 =	simm.s32 @!p0 $0x3D0;
	s25 =	simm.s32 @!p0 $0x240;
	[sflag:s24] =	ssyncadd.s32 @!p0 $0xFFFFFDC0  }
0x4b: {  	[tilespmem:s26], [sflag:$0x1] =	stream.indirect.gather @!p0 [hbm4b:s3+s25], $0x20, s23, s25, $0xb8;
	[tilespmem:$0x7DD0] =	vst v63  }
0x4c: {  	_ =	swait.ge @!p0 [sflag:s22], $0x4800  }
0x4d: {  	s21 =	sadd.s32 $0x1, s21;
	[sflag:s22] =	ssyncset.done @!p0 $0x0  }
0x4e: {  	s23 =	simm.s32 @!p0 $0x40;
	[sflag:s22] =	ssyncadd.s32 @!p0 $0xFFFFB800;
	s22 =	simm.s32 @!p0 $0x20  }
0x4f: {  	[hbm4b:s7+s22] =	stream.strided.scatter @!p0 [tilespmem:s26], [sflag:$0x2], $0x4800, s23, s22, $0x38;
	[tilespmem:$0x7DD0] =	vst v63  }
0x50: {  	p1 =	sne.s32 s21, s8;
	_ =	swait.ge @!p0 [sflag:s24], $0x4800  }
.Ltmp1:
0x51: {  	[sflag:s24] =	ssyncset.done @!p0 $0x0;
	(pc) =	sbr.rel @p1 .LBB2_1-.Ltmp1, $4  }
0x52: {  	s22 =	simm.s32 @!p0 $0x3;
	[sflag:s24] =	ssyncadd.s32 @!p0 $0xFFFFB800  }
0x53: {  	_ =	swait.ge @!p0 [sflag:s22], $0x900  }
0x54: {  	[sflag:s22] =	ssyncset.done @!p0 $0x0  }
0x55: {  	[sflag:s22] =	ssyncadd.s32 @!p0 $0xFFFFF700  }
0x56: {  	_ =	sfence.sel $0x180000  }
0x57: {  	[bflag:$0x0] =	sbarrier.arrive $0xFFFF  }
0x58: {  	p0 =	sne.s32 s1, $0x0;
	_ =	strace $0x9000004A  }
0x59: {  	s0 =	sadd.s32 @!p0 $0x100000, s0;
	[bflag:$0x2] =	sbarrier.arrive $0xFFFF  }
0x5a: {  	[sflag:s0] =	ssyncadd.tile.s32 @!p0 $0x1;
	_ =	shalt  }
.Lfunc_end2:
_tile_overlayer_lowered:
.L_overlay_start_2:
0x5b: {  	(tag) =	ssettag $0x2  }
0x5c: {  	s0 =	rddreg [dreg:$0x0];
	s2 =	stileid.u32  }
0x5d: {  	s1 =	rddreg [dreg:$0x1];
	p0 =	sne.s32 s2, $0x0  }
0x5e: {  	s3 =	rddreg [dreg:$0x2];
	[bflag:$0x3] =	sbarrier.arrive $0xFFFF;
	s2 =	simm.s32 @!p0 $0x1C04  }
0x5f: {  	[timem:s3], [sflag:s2] =	dma.local @!p0 [hbm:s0], s1  }
0x60: {  	s0 =	simm.s32 @!p0 $0x4  }
0x61: {  	_ =	swait.ge @!p0 [sflag:s0], s1  }
0x62: {  	s1 =	ssub.s32 @!p0 $0x0, s1;
	[sflag:s0] =	ssyncset.done @!p0 $0x0  }
0x63: {  	[sflag:s0] =	ssyncadd.s32 @!p0 s1  }
0x64: {  	[bflag:$0x3] =	sbarrier.arrive $0xFFFF  }
0x65: {  	_ =	shalt  }

// kernel: sparse-core-data-format-call.cloned.1.call-start
scs
called_computation_lowered:
.L_overlay_start_0:
0x0: {  	s2 =	sld [smem:$0x3FD9]  }
0x1: {  	s3 =	sld [smem:$0x3FFE];
	_ =	sdelay $0x1  }
0x2: {  	s1 =	srdreg.scid  }
0x3: {  	s0 =	sand.u32 $0x1, s1  }
0x4: {  	s18 =	sshll.u32 s0, $0xA;
	s2 =	sadd.s32 s3, s2  }
0x5: {  	s2 =	sadd.s32 s2, s18  }
0x6: {  	[smem:$0x3FC3] =	sst s2  }
0x7: {  	_ = 	snop  }
0x8: {  	s2 =	sld [smem:$0x3FD0];
	(tm) =	ssettm $0x1  }
0x9: {  	s19 =	sld [smem:$0x3FFB];
	_ =	sdelay $0x3  }
0xa: {  	_ =	strace s19  }
0xb: {  	s3 =	sld [smem:$0x3FFC];
	_ =	sdelay $0x3  }
0xc: {  	_ =	strace s3  }
0xd: {  	s3 =	sld [smem:$0x3FFD];
	_ =	sdelay $0x3  }
0xe: {  	_ =	strace s3  }
0xf: {  	_ =	strace $0x8FFFFFFF  }
0x10: {  	s20 =	sld [smem:$0x3FDB];
	_ =	sdelay $0x1  }
0x11: {  	s4 =	simm.s32 $_scs_section_size  }
0x12: {  	s5 =	simm.s32 $_size__tile_overlayer_lowered;
	s6 =	simm.s32 $_tile_overlayer_lowered  }
0x13: {  	s23 =	simm.s32 $0x1BFF;
	s22 =	sshll.u32 s6, $0x1;
	s3 =	sadd.s32 s4, s20  }
0x14: {  	s7 =	simm.s32 $0x0;
	s21 =	sshll.u32 s5, $0x1;
	s5 =	sadd.s32 s22, s3  }
0x15: {  	[timem:s7], [sflag:s23] =	dma.local [hbm:s5], s21  }
0x16: {  	_ =	swait.ge [sflag:s23], s21  }
0x17: {  	s4 =	ssub.s32 $0x0, s21;
	[sflag:s23] =	ssyncset.done $0x0  }
0x18: {  	[sflag:s23] =	ssyncadd.s32 s4;
	_ =	sdelay $0x1  }
0x19: {  	s24 =	simm.s32 $0x1B8B  }
0x1a: {  	_ =	swait.ge [sflag:s24], $0x1  }
0x1b: {  	[sflag:s24] =	ssyncset.done $0x0  }
0x1c: {  	s26 =	simm.s32 $0x1B8E;
	s25 =	sld [smem:$0x3FFE];
	[sflag:s24] =	ssyncadd.s32 $0xFFFFFFFF  }
0x1d: {  	s27 =	simm.s32 $execute0_lowered;
	[smem:$0x3FD2] =	sst s26  }
0x1e: {  	s5 =	sshll.u32 s27, $0x1;
	_ =	strace $0x8000004C;
	[dreg:$0x1] =	wrdreg $0xFFFFFFFF  }
0x1f: {  	s28 =	simm.s32 $_size_execute0_lowered;
	s3 =	sadd.s32 s3, s5;
	[dreg:$0x0] =	wrdreg $0x0  }
0x20: {  	s5 =	sshll.u32 s28, $0x1;
	[dreg:$0x2] =	wrdreg s3  }
0x21: {  	[dreg:$0x3] =	wrdreg s5  }
0x22: {  	[dreg:$0x4] =	wrdreg $0xC0  }
0x23: {  	_ =	task [dreg:s7], $0x5FFFF  }
0x24: {  	[dreg:$0x1] =	wrdreg $0xFFFFFFFF  }
0x25: {  	[dreg:$0x0] =	wrdreg $0x60  }
0x26: {  	[dreg:$0x2] =	wrdreg s25  }
0x27: {  	[dreg:$0x3] =	wrdreg s2  }
0x28: {  	[dreg:$0x4] =	wrdreg $0x9  }
0x29: {  	_ =	task.clear_ibuf [dreg:s7], $0x5FFFF;
	_ =	strace $0x9000004C  }
0x2a: {  	s29 =	simm.s32 $0x9;
	_ =	strace $0x8000004E  }
0x2b: {  	_ =	swait.ge [sflag:s29], $0x1  }
0x2c: {  	[sflag:s29] =	ssyncadd.s32 $0xFFFFFFFF  }
0x2d: {  	_ =	strace $0x9000004E  }
0x2e: {  	_ =	sfence  }
0x2f: {  	s30 =	sld [smem:$0x0];
	_ =	sdelay $0x2  }
0x30: {  	s31 =	sshll.u32 s1, $0xD;
	s1 =	sshrl.u32 s1, $0x2  }
0x31: {  	s3 =	sand.u32 $0x4000, s31;
	s1 =	sadd.s32 s1, s30  }
0x32: {  	s0 =	sor.u32 s3, s0;
	s1 =	sshll.u32 s1, $0x11  }
0x33: {  	s0 =	sor.u32 s1, s0  }
0x34: {  	s0 =	sadd.s32 $0x8F2B, s0  }
0x35: {  	[sflag:s0] =	ssyncadd.remote.s32 $0x1  }
0x36: {  	_ =	sfence.sel $0xFFFF  }
0x37: {  	[dreg:$0x0] =	wrdreg $0xFFFFFFFF;
	(pc) =	sbr.abs _section_cstart, $3  }
0x38: {  	[dreg:$0x1] =	wrdreg $0xFFFFFFFF  }
0x39: {  	_ =	task.clear_ibuf [dreg:s7], $0x2FFFF;
	_ =	strace $0x9FFFFFFF  }
0x3a: {  	(tm) =	ssettm $0x7FFFFFFF  }
0x3b: {  	_ =	shalt  }
tec
execute0_lowered:
.L_overlay_start_1:
0x0: {  	(tag) =	ssettag $0x1  }
0x1: {  	s4 =	rddreg [dreg:$0x0]  }
0x2: {  	s0 =	srdreg.scid;
	s2 =	rddreg [dreg:$0x1]  }
0x3: {  	s1 =	stileid.u32;
	s5 =	simm.s32 $0x1;
	s0 =	sshll.u32 s0, $0x4  }
0x4: {  	s7 =	simm.s32 $0x2;
	s11 =	simm.s32 $0x0;
	s3 =	sand.u32 $0x10, s0  }
.Ltmp0:
0x5: {  	p0 =	por $0x0, $0x0;
	s3 =	sor.u32 s1, s3;
	(pc) =	sbr.rel .LBB1_1-.Ltmp0, $4  }
0x6: {  	s8 =	simm.s32 $0x7A1400;
	s10 =	simm.s32 $0x0;
	s3 =	sshll.u32 s3, $0x7  }
0x7: {  	s0 =	rddreg [dreg:$0x2];
	_ =	strace $0x8000004D;
	s6 =	ssub.s32 $0xF4200, s3  }
0x8: {  	s4 =	sadd.s32 $0x1E00, s4;
	[sflag:s5] =	ssyncpa.u1 $0x0;
	s6 =	sshrl.u32 s6, $0xC  }
0x9: {  	[sflag:s7] =	ssyncpa.u1 $0x0;
	s9 =	smov.u32 s3;
	s7 =	sadd.s32 $0x2, s6  }
.LBB1_5:
0xa: {  	s13 =	sadd.s32 $0x1000, s9  }
0xb: {  	p2 =	sgt.s32 s13, $0xF423F  }
0xc: {  	s13 =	smov.u32 @p2 s3;
	p2 =	sne.s32 s10, s7  }
.Ltmp1:
0xd: {  	p1 =	slt.u32 s10, $0x2;
	(pc) =	sbr.rel @!p2 .LBB1_6-.Ltmp1, $4  }
0xe: {  	s12 =	simm.s32 @!p1 $0x2  }
0xf: {  	s14 =	sadd.s32 $0x1, s10;
	_ =	swait.ge @!p1 [sflag:s12], $0x2000  }
0x10: {  	s11 =	smov.u32 s9;
	p0 =	por !p0, !p0;
	[sflag:s12] =	ssyncset.done @!p1 $0x0  }
0x11: {  	s10 =	smov.u32 s14;
	s9 =	smov.u32 s13;
	[sflag:s12] =	ssyncadd.s32 @!p1 $0xFFFFE000  }
.LBB1_1:
0x12: {  	p1 =	sgt.u32 s10, s6  }
0x13: {  	s13 =	smov.u32 s9;
	p2 =	sgt.s32 @!p1 s9, $0xF41C0  }
0x14: {  	s12 =	sand.u32 @!p1 $0x1FFFFFF, s9;
	s14 =	sshra.s32 @!p1 s9, $0x1F;
	p2 =	por !p2, p1  }
0x15: {  	s15 =	smulhi.u32 @!p1 $0x218DEF5, s12;
	s14 =	sand.u32 @!p1 s14, s9;
	s13 =	simm.s32 @p2 $0xF41C0  }
0x16: {  	s13 =	ssub.s32 @!p1 s13, s14  }
0x17: {  	s14 =	sshrl.u32 @!p1 s15, $0xD;
	s13 =	sadd.s32 @!p1 $0xFFF0BE40, s13  }
0x18: {  	s15 =	sxor.u32 @!p1 $0xFFFFFFFF, s10;
	s14 =	smul.u32 @!p1 $0xF4240, s14;
	s16 =	sshll.u32 @!p1 s13, $0x8  }
0x19: {  	s15 =	sshll.u32 @!p1 s15, $0xD;
	p2 =	sgt.s32 @!p1 s13, $0x7F;
	s13 =	ssub.s32 @!p1 $0x8000, s16  }
0x1a: {  	s12 =	ssub.s32 @!p1 s12, s14;
	p2 =	por !p2, p1;
	s14 =	sand.u32 @!p1 $0x2000, s15  }
0x1b: {  	s15 =	simm.s32 @!p1 $0x40;
	s13 =	sshrl.u32 @!p1 s13, $0x2;
	s12 =	sshll.u32 @!p1 s12, $0x4  }
0x1c: {  	s16 =	simm.s32 @!p1 $0x80;
	s13 =	simm.s32 @!p2 $0x0;
	s12 =	sadd.s32 @!p1 s4, s12  }
0x1d: {  	[tilespmem:s14], [sflag:$0x1] =	stream.strided.gather @!p1 [hbm4b:s12+s15], s13, s16, s15, $0x38;
	[tilespmem:$0x8080] =	vst v63  }
0x1e: {  	p1 =	seq.s32 s10, $0x0  }
0x1f: {  	p2 =	sge.u32 @!p1 s10, s7  }
0x20: {  	p1 =	por p1, p2  }
.Ltmp2:
0x21: {  	_ = 	snop;
	(pc) =	sbr.rel @p1 .LBB1_5-.Ltmp2, $1  }
0x22: {  	_ =	sdelay $0x3  }
0x23: {  	p1 =	sgt.s32 s11, $0xF41C0;
	s12 =	smov.u32 s11;
	s13 =	sshra.s32 s11, $0x1F  }
0x24: {  	s12 =	simm.s32 @!p1 $0xF41C0;
	s13 =	sand.u32 s13, s11  }
0x25: {  	s12 =	ssub.s32 s12, s13  }
0x26: {  	s12 =	sadd.s32 $0xFFF0BE40, s12  }
0x27: {  	s28 =	sshll.u32 s12, $0x8  }
0x28: {  	s13 =	ssub.s32 $0x8000, s28  }
0x29: {  	p1 =	sgt.s32 s12, $0x7F;
	s12 =	sshrl.u32 s13, $0x2  }
0x2a: {  	s13 =	simm.s32 $0x1;
	s12 =	simm.s32 @p1 $0x0  }
0x2b: {  	s13 =	simm.s32 @!p0 $0x0;
	_ =	swait.ge [sflag:s5], s12  }
0x2c: {  	s14 =	sshll.u32 s13, $0xD;
	s12 =	ssub.s32 $0x0, s12;
	[sflag:s5] =	ssyncset.done $0x0  }
0x2d: {  	s16 =	sor.u32 $0x20, s14;
	[sflag:s5] =	ssyncadd.s32 s12  }
0x2e: {  	s29 =	smul.u32 $0x8100, s13;
	v3 =	vld [tilespmem:s16+$0x10]  }
0x2f: {  	s30 =	sand.u32 $0x1, s10;
	v2 =	vld [tilespmem:s16+$0xFFFFFFF0]  }
0x30: {  	s13 =	smul.u32 $0x8100, s30;
	s12 =	sshrl.u32 s29, $0x2;
	v0 =	vld [tilespmem:s16+$0x0]  }
0x31: {  	s14 =	sor.u32 $0x4000, s12;
	v1 =	vld [tilespmem:s16+$0xFFFFFFE0]  }
0x32: {  	s31 =	sshrl.u32 s13, $0x2;
	s13 =	sadd.s32 $0x0, s14  }
0x33: {  	s15 =	simm.s32 $0x4;
	s12 =	sor.u32 $0x4000, s31;
	s16 =	sadd.s32 $0x40, s16;
	[tilespmem:s13+$0x1830 ss:$0x81] =	vst.msk $0xffff, v3  }
.LBB1_3:
0x34: {  	v3 =	vld [tilespmem:s16+$0x10];
	p1 =	sne.s32 s15, $0x1FC;
	[tilespmem:s13+$0x810 ss:$0x81] =	vst.msk $0xffff, v2;
	s17 =	smov.u32 s15;
	s15 =	sadd.s32 $0x4, s15  }
.Ltmp3:
0x35: {  	v2 =	vld [tilespmem:s16+$0xFFFFFFF0];
	[tilespmem:s13+$0x1020 ss:$0x81] =	vst.msk $0xffff, v0;
	(pc) =	sbr.rel @p1 .LBB1_3-.Ltmp3, $4  }
0x36: {  	v0 =	vld [tilespmem:s16+$0x0];
	[tilespmem:s13+$0x0 ss:$0x81] =	vst.msk $0xffff, v1  }
0x37: {  	s13 =	sshra.s32 s17, $0x2;
	v1 =	vld [tilespmem:s16+$0xFFFFFFE0]  }
0x38: {  	s13 =	sadd.s32 s13, s14  }
0x39: {  	s16 =	sadd.s32 $0x40, s16;
	[tilespmem:s13+$0x1830 ss:$0x81] =	vst.msk $0xffff, v3  }
0x3a: {  	s14 =	sshll.u32 s11, $0x3  }
0x3b: {  	s30 =	sand.u32 $0x7F, s11;
	s14 =	sand.u32 $0xFFFFFC00, s14  }
0x3c: {  	s11 =	sor.u32 s30, s14  }
0x3d: {  	s15 =	smulhi.u32 $0x218D6287, s11;
	_ =	sdelay $0x1  }
0x3e: {  	s14 =	smulhi.u32 $0x218D6287, s14;
	s15 =	sshrl.u32 s15, $0x11  }
0x3f: {  	s15 =	smul.u32 $0xF4280, s15  }
0x40: {  	s14 =	sshrl.u32 s14, $0x11  }
.Ltmp4:
0x41: {  	s14 =	sand.u32 $0x3F, s14;
	s11 =	ssub.s32 s11, s15;
	(pc) =	sbr.rel .LBB1_5-.Ltmp4, $4  }
0x42: {  	[tilespmem:s13+$0x810 ss:$0x81] =	vst.msk $0xffff, v2;
	s14 =	smul.u32 $0x1E850, s14;
	s15 =	sshrl.u32 s11, $0x3;
	s11 =	sand.u32 $0x7, s11  }
0x43: {  	[tilespmem:s13+$0x1020 ss:$0x81] =	vst.msk $0xffff, v0;
	s15 =	sadd.s32 s2, s15;
	s11 =	sshll.u32 s11, $0x12  }
0x44: {  	[tilespmem:s13+$0x0 ss:$0x81] =	vst.msk $0xffff, v1;
	s31 =	sadd.s32 s14, s15;
	s11 =	sor.u32 $0x400, s11  }
0x45: {  	[hbm4b:s31+s11] =	stream.strided.scatter [tilespmem:s12], [sflag:$0x2], $0x2000, s8, s11, $0x20;
	[tilespmem:$0x8080] =	vst v63  }
.LBB1_6:
0x46: {  	_ =	sfence.sel $0x180000  }
0x47: {  	s2 =	simm.s32 $0x1;
	[bflag:$0x0] =	sbarrier.arrive $0xFFFF  }
0x48: {  	s31 =	simm.s32 $0x2;
	[sflag:s2] =	ssyncpa.u1 $0x1  }
0x49: {  	[sflag:s31] =	ssyncpa.u1 $0x1  }
0x4a: {  	p0 =	sne.s32 s1, $0x0;
	_ =	strace $0x9000004D  }
0x4b: {  	s0 =	sadd.s32 @!p0 $0x100000, s0;
	[bflag:$0x2] =	sbarrier.arrive $0xFFFF  }
0x4c: {  	[sflag:s0] =	ssyncadd.tile.s32 @!p0 $0x1;
	_ =	shalt  }
.Lfunc_end1:
_tile_overlayer_lowered:
.L_overlay_start_2:
0x4d: {  	(tag) =	ssettag $0x2  }
0x4e: {  	s0 =	rddreg [dreg:$0x0];
	s2 =	stileid.u32  }
0x4f: {  	s1 =	rddreg [dreg:$0x1];
	p0 =	sne.s32 s2, $0x0  }
0x50: {  	s3 =	rddreg [dreg:$0x2];
	[bflag:$0x3] =	sbarrier.arrive $0xFFFF;
	s2 =	simm.s32 @!p0 $0x1C01  }
0x51: {  	[timem:s3], [sflag:s2] =	dma.local @!p0 [hbm:s0], s1  }
0x52: {  	s0 =	simm.s32 @!p0 $0x1  }
0x53: {  	_ =	swait.ge @!p0 [sflag:s0], s1  }
0x54: {  	s1 =	ssub.s32 @!p0 $0x0, s1;
	[sflag:s0] =	ssyncset.done @!p0 $0x0  }
0x55: {  	[sflag:s0] =	ssyncadd.s32 @!p0 s1  }
0x56: {  	[bflag:$0x3] =	sbarrier.arrive $0xFFFF  }
0x57: {  	_ =	shalt  }

</sc_bundles>
